<compile_context>
chip_gen: v7x
topology: tpu7x:2x2x1
jax: 0.10.2.dev20260603
libtpu: 0.0.44.dev20260713+nightly
codegen_flags: <defaults>
</compile_context>

<pallas_src>
import functools

import jax
import jax.numpy as jnp
from jax import lax
from jax.experimental import pallas as pl
from jax.experimental.pallas import tpu as pltpu
from jax.experimental.pallas import tpu_sc as plsc

N_NODES = 10000
NC, NS = 2, 16
N_ACC = 10112
RPT = N_ACC // NS
CHUNK = 128
K0 = 80
K1 = 80
DEG_W = 128

_SC_MESH = plsc.VectorSubcoreMesh(core_axis_name="c", subcore_axis_name="s")




def _make_agg(n_chunks, d):

    @functools.partial(
        pl.kernel,
        mesh=_SC_MESH,
        out_type=jax.ShapeDtypeStruct((NC, N_ACC, d), jnp.float32),
        scratch_types=[
            pltpu.VMEM((n_chunks, CHUNK), jnp.int32),
            pltpu.VMEM((n_chunks, CHUNK), jnp.int32),
            pltpu.VMEM((CHUNK, d), jnp.float32),
            pltpu.VMEM_SHARED((N_ACC, d), jnp.float32),
        ],
    )
    def agg(src_hbm, dst_hbm, g_hbm, zeros_hbm, out_hbm, src_v, dst_v, rows_v,
            acc):
        c = lax.axis_index("c")
        s = lax.axis_index("s")
        pltpu.sync_copy(src_hbm.at[c, s], src_v)
        pltpu.sync_copy(dst_hbm.at[c, s], dst_v)
        pltpu.sync_copy(zeros_hbm, acc.at[pl.ds(s * RPT, RPT)])
        plsc.subcore_barrier()

        def step(j, carry):
            pltpu.sync_copy(g_hbm.at[src_v.at[j]], rows_v)
            pltpu.sync_copy(rows_v, acc.at[dst_v.at[j]], add=True)
            return carry

        lax.fori_loop(0, n_chunks, step, 0)
        plsc.subcore_barrier()
        pltpu.sync_copy(acc.at[pl.ds(s * RPT, RPT)],
                        out_hbm.at[c, pl.ds(s * RPT, RPT)])

    return agg


def _make_deg(n_chunks):

    @functools.partial(
        pl.kernel,
        mesh=_SC_MESH,
        out_type=jax.ShapeDtypeStruct((NC, N_ACC, DEG_W), jnp.float32),
        scratch_types=[
            pltpu.VMEM((n_chunks, CHUNK), jnp.int32),
            pltpu.VMEM((CHUNK, DEG_W), jnp.float32),
            pltpu.VMEM_SHARED((N_ACC, DEG_W), jnp.float32),
        ],
    )
    def deg(dst_hbm, ones_hbm, zeros_hbm, out_hbm, dst_v, ones_v, acc):
        c = lax.axis_index("c")
        s = lax.axis_index("s")
        pltpu.sync_copy(dst_hbm.at[c, s], dst_v)
        pltpu.sync_copy(ones_hbm, ones_v)
        pltpu.sync_copy(zeros_hbm, acc.at[pl.ds(s * RPT, RPT)])
        plsc.subcore_barrier()

        def step(j, carry):
            pltpu.sync_copy(ones_v, acc.at[dst_v.at[j]], add=True)
            return carry

        lax.fori_loop(0, n_chunks, step, 0)
        plsc.subcore_barrier()
        pltpu.sync_copy(acc.at[pl.ds(s * RPT, RPT)],
                        out_hbm.at[c, pl.ds(s * RPT, RPT)])

    return deg



_BLK = 1000


def _dinv_of(degp_ref):
    deg = degp_ref[0, :, :1] + degp_ref[1, :, :1] + 1.0
    return lax.rsqrt(deg)


def _t1_body(degp_ref, feat_ref, w_ref, g_ref):
    dinv = _dinv_of(degp_ref)
    h = jnp.dot(feat_ref[...], w_ref[...], preferred_element_type=jnp.float32)
    g_ref[...] = dinv * h


def _t2_body(degp_ref, aggp_ref, g_ref, b_ref, w_ref, x_ref, gn_ref, *, relu):
    dinv = _dinv_of(degp_ref)
    x = dinv * (aggp_ref[0] + aggp_ref[1] + g_ref[...]) + b_ref[...]
    if relu:
        x = jnp.maximum(x, 0.0)
    x_ref[...] = x
    gn_ref[...] = dinv * jnp.dot(x, w_ref[...],
                                 preferred_element_type=jnp.float32)


def _t3_body(degp_ref, aggp_ref, g_ref, b_ref, x1_ref, x2_ref, wp_ref, bp_ref,
             y_ref):
    dinv = _dinv_of(degp_ref)
    x3 = dinv * (aggp_ref[0] + aggp_ref[1] + g_ref[...]) + b_ref[...]
    wp = wp_ref[...]
    y = jnp.dot(x1_ref[...], wp[0:128], preferred_element_type=jnp.float32)
    y += jnp.dot(x2_ref[...], wp[128:256], preferred_element_type=jnp.float32)
    y += jnp.dot(x3, wp[256:384], preferred_element_type=jnp.float32)
    y_ref[...] = y + bp_ref[...]


def _degp_spec():
    return pl.BlockSpec((NC, _BLK, DEG_W), lambda i: (0, i, 0))


def _aggp_spec():
    return pl.BlockSpec((NC, _BLK, 128), lambda i: (0, i, 0))


def _row_spec(d=128):
    return pl.BlockSpec((_BLK, d), lambda i: (i, 0))


def _full_spec(a, b):
    return pl.BlockSpec((a, b), lambda i: (0, 0))


_GRID = N_NODES // _BLK


def _t1(degp, feat, w1):
    return pl.pallas_call(
        _t1_body,
        grid=(_GRID,),
        in_specs=[_degp_spec(), _row_spec(), _full_spec(128, 128)],
        out_specs=_row_spec(),
        out_shape=jax.ShapeDtypeStruct((N_NODES, 128), jnp.float32),
    )(degp, feat, w1)


def _t2(degp, aggp, g, b, w, relu):
    return pl.pallas_call(
        functools.partial(_t2_body, relu=relu),
        grid=(_GRID,),
        in_specs=[_degp_spec(), _aggp_spec(), _row_spec(),
                  _full_spec(1, 128), _full_spec(128, 128)],
        out_specs=[_row_spec(), _row_spec()],
        out_shape=[jax.ShapeDtypeStruct((N_NODES, 128), jnp.float32),
                   jax.ShapeDtypeStruct((N_NODES, 128), jnp.float32)],
    )(degp, aggp, g, b, w)


def _t3(degp, aggp, g, b, x1, x2, wp, bp):
    return pl.pallas_call(
        _t3_body,
        grid=(_GRID,),
        in_specs=[_degp_spec(), _aggp_spec(), _row_spec(),
                  _full_spec(1, 128), _row_spec(), _row_spec(),
                  _full_spec(384, 16), _full_spec(1, 16)],
        out_specs=_row_spec(16),
        out_shape=jax.ShapeDtypeStruct((N_NODES, 16), jnp.float32),
    )(degp, aggp, g, b, x1, x2, wp, bp)



def kernel(feat, edge_index, batch, W1, b1, W2, b2, W3, b3, Wp, bp):
    del batch
    e = edge_index.shape[1]
    per_tile = -(-e // (NC * NS * CHUNK)) * CHUNK
    n_chunks = per_tile // CHUNK
    pe = NC * NS * per_tile
    src = jnp.concatenate(
        [edge_index[0], jnp.zeros((pe - e,), jnp.int32)]).reshape(
            NC, NS, n_chunks, CHUNK)
    dst = jnp.concatenate(
        [edge_index[1], jnp.full((pe - e,), N_NODES, jnp.int32)]).reshape(
            NC, NS, n_chunks, CHUNK)

    zeros_d = jnp.zeros((RPT, 128), jnp.float32)
    zeros_w = jnp.zeros((RPT, DEG_W), jnp.float32)
    ones_w = jnp.ones((CHUNK, DEG_W), jnp.float32)

    agg = _make_agg(n_chunks, 128)
    degp = _make_deg(n_chunks)(dst, ones_w, zeros_w)

    b1r, b2r, b3r, bpr = (x.reshape(1, -1) for x in (b1, b2, b3, bp))

    g1 = _t1(degp, feat, W1)
    a1 = agg(src, dst, g1, zeros_d)
    x1, g2 = _t2(degp, a1, g1, b1r, W2, relu=True)
    a2 = agg(src, dst, g2, zeros_d)
    x2, g3 = _t2(degp, a2, g2, b2r, W3, relu=True)
    a3 = agg(src, dst, g3, zeros_d)
    return _t3(degp, a3, g3, b3r, x1, x2, Wp, bpr)

# --- scband reference (transcript-rebuilt; emitter-appended) ---
"""Pipeline reference for scband-gcnnet-80857054314690 (READ-ONLY COPY).

The authoritative reference and input builder live on the scoring server;
editing this copy changes nothing except your own understanding.
"""

import jax, jax.numpy as jnp
import numpy as np

N, E, D_IN, HID, EMB, LAB = 10000, 320000, 128, 128, 128, 16


def gcn_conv(x, edge_index, W, b):
    # torch_geometric GCNConv: add self-loops, symmetric normalization,
    # linear transform, scatter-add aggregation, plus bias.
    n = x.shape[0]
    loop = jnp.arange(n, dtype=edge_index.dtype)
    src = jnp.concatenate([edge_index[0], loop])
    dst = jnp.concatenate([edge_index[1], loop])
    deg = jax.ops.segment_sum(jnp.ones(src.shape[0], dtype=x.dtype), dst, num_segments=n)
    dinv = jnp.where(deg > 0, 1.0 / jnp.sqrt(deg), 0.0)
    norm = dinv[src] * dinv[dst]
    h = x @ W
    msg = h[src] * norm[:, None]
    out = jax.ops.segment_sum(msg, dst, num_segments=n)
    return out + b


def setup_inputs(seed: int = 0):
    key = jax.random.key(seed)
    ks = jax.random.split(key, 12)
    feat = jax.random.normal(ks[0], (N, D_IN), dtype=jnp.float32)
    edge_index = jax.random.randint(ks[1], (2, E), 0, N, dtype=jnp.int32)
    batch = jnp.sort(jax.random.randint(ks[2], (N,), 0, 64, dtype=jnp.int32))
    def glorot(k, shape):
        fan_in, fan_out = shape[0], shape[1]
        lim = np.sqrt(6.0 / (fan_in + fan_out))
        return jax.random.uniform(k, shape, dtype=jnp.float32, minval=-lim, maxval=lim)
    W1 = glorot(ks[3], (D_IN, HID)); b1 = jnp.zeros((HID,), jnp.float32)
    W2 = glorot(ks[4], (HID, HID)); b2 = jnp.zeros((HID,), jnp.float32)
    W3 = glorot(ks[5], (HID, EMB)); b3 = jnp.zeros((EMB,), jnp.float32)
    pred_in = HID * 2 + EMB  # concat of all layer outputs (num_layers=3)
    Wp = glorot(ks[6], (pred_in, LAB)); bp = jnp.zeros((LAB,), jnp.float32)
    return {"feat": feat, "edge_index": edge_index, "batch": batch,
            "W1": W1, "b1": b1, "W2": W2, "b2": b2, "W3": W3, "b3": b3,
            "Wp": Wp, "bp": bp}


def reference(feat, edge_index, batch, W1, b1, W2, b2, W3, b3, Wp, bp):
    # batch is unused in GCNNet.forward (node-level prediction path)
    x1 = jax.nn.relu(gcn_conv(feat, edge_index, W1, b1))
    x2 = jax.nn.relu(gcn_conv(x1, edge_index, W2, b2))
    x3 = gcn_conv(x2, edge_index, W3, b3)  # no relu on last layer
    x_tensor = jnp.concatenate([x1, x2, x3], axis=1)
    return x_tensor @ Wp + bp


if False:  # reference __main__ guard neutralized (emitter)
    out = reference(**setup_inputs())
    print(out.shape)

if __name__ == "__main__":
    import jax
    _d = setup_inputs()
    print(jax.jit(kernel)(*tuple(_d.values())))

</pallas_src>

<mosaic_0001>
#map = affine_map<(d0, d1) -> (0, 0, 0, 0)>
#map1 = affine_map<(d0, d1) -> (0, 0)>
#map2 = affine_map<(d0, d1) -> (0, 0, 0)>
module attributes {stable_mosaic.version = 14 : i64} {
  func.func @agg(%arg0: i32, %arg1: i32, %arg2: memref<2x16x79x128xi32, #tpu.memory_space<hbm>>, %arg3: memref<2x16x79x128xi32, #tpu.memory_space<hbm>>, %arg4: memref<10000x128xf32, #tpu.memory_space<hbm>>, %arg5: memref<632x128xf32, #tpu.memory_space<hbm>>, %arg6: memref<2x10112x128xf32, #tpu.memory_space<hbm>>, %arg7: memref<79x128xi32, #tpu.memory_space<vmem>>, %arg8: memref<79x128xi32, #tpu.memory_space<vmem>>, %arg9: memref<128x128xf32, #tpu.memory_space<vmem>>, %arg10: memref<10112x128xf32, #tpu.memory_space<vmem_shared>>) attributes {dimension_semantics = [#tpu.dimension_semantics<core_parallel>, #tpu.dimension_semantics<subcore_parallel>], iteration_bounds = array<i64: 2, 16>, scalar_prefetch = 0 : i64, scratch_operands = 4 : i64, tpu.core_type = #tpu.core_type<sc_vector_subcore>, window_params = [{transform_indices = #map}, {transform_indices = #map}, {transform_indices = #map1}, {transform_indices = #map1}, {transform_indices = #map2}]} {
    "tpu.region"() ({
      %run_scoped3A = tpu.sem_alloc : memref<!tpu.dma_semaphore, #tpu.memory_space<semaphore_mem>>
      %dma_start3A = arith.constant 0 : i32
      %dma_start3A_11 = arith.constant 0 : i32
      %dma_start3A_12 = tpu.memref_slice %arg2[%arg0, %arg1, %dma_start3A, %dma_start3A_11] : memref<2x16x79x128xi32, #tpu.memory_space<hbm>> -> memref<1x1x79x128xi32, #tpu.memory_space<hbm>>
      %dma_start3A_13 = tpu.memref_squeeze %dma_start3A_12 : memref<1x1x79x128xi32, #tpu.memory_space<hbm>> -> memref<79x128xi32, #tpu.memory_space<hbm>>
      %dma_start3A_14 = arith.constant 0 : i32
      %dma_start3A_15 = arith.constant 0 : i32
      %dma_start3A_16 = tpu.memref_slice %arg2[%arg0, %arg1, %dma_start3A_14, %dma_start3A_15] : memref<2x16x79x128xi32, #tpu.memory_space<hbm>> -> memref<1x1x79x128xi32, #tpu.memory_space<hbm>>
      %dma_start3A_17 = tpu.memref_squeeze %dma_start3A_16 : memref<1x1x79x128xi32, #tpu.memory_space<hbm>> -> memref<79x128xi32, #tpu.memory_space<hbm>>
      tpu.enqueue_dma source(%dma_start3A_17 : memref<79x128xi32, #tpu.memory_space<hbm>>) target(%arg7 : memref<79x128xi32, #tpu.memory_space<vmem>>) target_semaphore(%run_scoped3A : memref<!tpu.dma_semaphore, #tpu.memory_space<semaphore_mem>>)
      %dma_wait3A = arith.constant 0 : i32
      %dma_wait3A_18 = arith.constant 0 : i32
      %dma_wait3A_19 = tpu.memref_slice %arg2[%arg0, %arg1, %dma_wait3A, %dma_wait3A_18] : memref<2x16x79x128xi32, #tpu.memory_space<hbm>> -> memref<1x1x79x128xi32, #tpu.memory_space<hbm>>
      %dma_wait3A_20 = tpu.memref_squeeze %dma_wait3A_19 : memref<1x1x79x128xi32, #tpu.memory_space<hbm>> -> memref<79x128xi32, #tpu.memory_space<hbm>>
      %dma_wait3A_21 = arith.constant 0 : i32
      %dma_wait3A_22 = arith.constant 0 : i32
      %dma_wait3A_23 = tpu.memref_slice %arg2[%arg0, %arg1, %dma_wait3A_21, %dma_wait3A_22] : memref<2x16x79x128xi32, #tpu.memory_space<hbm>> -> memref<1x1x79x128xi32, #tpu.memory_space<hbm>>
      %dma_wait3A_24 = tpu.memref_squeeze %dma_wait3A_23 : memref<1x1x79x128xi32, #tpu.memory_space<hbm>> -> memref<79x128xi32, #tpu.memory_space<hbm>>
      tpu.wait_dma2 semaphore(%run_scoped3A : memref<!tpu.dma_semaphore, #tpu.memory_space<semaphore_mem>>) src(%dma_wait3A_24 : memref<79x128xi32, #tpu.memory_space<hbm>>) dst(%arg7 : memref<79x128xi32, #tpu.memory_space<vmem>>)
      tpu.yield
    }) : () -> ()
    "tpu.region"() ({
      %run_scoped3A = tpu.sem_alloc : memref<!tpu.dma_semaphore, #tpu.memory_space<semaphore_mem>>
      %dma_start3A = arith.constant 0 : i32
      %dma_start3A_11 = arith.constant 0 : i32
      %dma_start3A_12 = tpu.memref_slice %arg3[%arg0, %arg1, %dma_start3A, %dma_start3A_11] : memref<2x16x79x128xi32, #tpu.memory_space<hbm>> -> memref<1x1x79x128xi32, #tpu.memory_space<hbm>>
      %dma_start3A_13 = tpu.memref_squeeze %dma_start3A_12 : memref<1x1x79x128xi32, #tpu.memory_space<hbm>> -> memref<79x128xi32, #tpu.memory_space<hbm>>
      %dma_start3A_14 = arith.constant 0 : i32
      %dma_start3A_15 = arith.constant 0 : i32
      %dma_start3A_16 = tpu.memref_slice %arg3[%arg0, %arg1, %dma_start3A_14, %dma_start3A_15] : memref<2x16x79x128xi32, #tpu.memory_space<hbm>> -> memref<1x1x79x128xi32, #tpu.memory_space<hbm>>
      %dma_start3A_17 = tpu.memref_squeeze %dma_start3A_16 : memref<1x1x79x128xi32, #tpu.memory_space<hbm>> -> memref<79x128xi32, #tpu.memory_space<hbm>>
      tpu.enqueue_dma source(%dma_start3A_17 : memref<79x128xi32, #tpu.memory_space<hbm>>) target(%arg8 : memref<79x128xi32, #tpu.memory_space<vmem>>) target_semaphore(%run_scoped3A : memref<!tpu.dma_semaphore, #tpu.memory_space<semaphore_mem>>)
      %dma_wait3A = arith.constant 0 : i32
      %dma_wait3A_18 = arith.constant 0 : i32
      %dma_wait3A_19 = tpu.memref_slice %arg3[%arg0, %arg1, %dma_wait3A, %dma_wait3A_18] : memref<2x16x79x128xi32, #tpu.memory_space<hbm>> -> memref<1x1x79x128xi32, #tpu.memory_space<hbm>>
      %dma_wait3A_20 = tpu.memref_squeeze %dma_wait3A_19 : memref<1x1x79x128xi32, #tpu.memory_space<hbm>> -> memref<79x128xi32, #tpu.memory_space<hbm>>
      %dma_wait3A_21 = arith.constant 0 : i32
      %dma_wait3A_22 = arith.constant 0 : i32
      %dma_wait3A_23 = tpu.memref_slice %arg3[%arg0, %arg1, %dma_wait3A_21, %dma_wait3A_22] : memref<2x16x79x128xi32, #tpu.memory_space<hbm>> -> memref<1x1x79x128xi32, #tpu.memory_space<hbm>>
      %dma_wait3A_24 = tpu.memref_squeeze %dma_wait3A_23 : memref<1x1x79x128xi32, #tpu.memory_space<hbm>> -> memref<79x128xi32, #tpu.memory_space<hbm>>
      tpu.wait_dma2 semaphore(%run_scoped3A : memref<!tpu.dma_semaphore, #tpu.memory_space<semaphore_mem>>) src(%dma_wait3A_24 : memref<79x128xi32, #tpu.memory_space<hbm>>) dst(%arg8 : memref<79x128xi32, #tpu.memory_space<vmem>>)
      tpu.yield
    }) : () -> ()
    %mul3A = arith.constant 632 : i32
    %mul3A_0 = arith.muli %arg1, %mul3A : i32
    "tpu.region"() ({
      %run_scoped3A = tpu.sem_alloc : memref<!tpu.dma_semaphore, #tpu.memory_space<semaphore_mem>>
      %dma_start3A = arith.constant 0 : i32
      %dma_start3A_11 = tpu.memref_slice %arg10[%mul3A_0, %dma_start3A] : memref<10112x128xf32, #tpu.memory_space<vmem_shared>> -> memref<632x128xf32, #tpu.memory_space<vmem_shared>>
      tpu.enqueue_dma source(%arg5 : memref<632x128xf32, #tpu.memory_space<hbm>>) target(%dma_start3A_11 : memref<632x128xf32, #tpu.memory_space<vmem_shared>>) target_semaphore(%run_scoped3A : memref<!tpu.dma_semaphore, #tpu.memory_space<semaphore_mem>>)
      %dma_wait3A = arith.constant 0 : i32
      %dma_wait3A_12 = tpu.memref_slice %arg10[%mul3A_0, %dma_wait3A] : memref<10112x128xf32, #tpu.memory_space<vmem_shared>> -> memref<632x128xf32, #tpu.memory_space<vmem_shared>>
      tpu.wait_dma2 semaphore(%run_scoped3A : memref<!tpu.dma_semaphore, #tpu.memory_space<semaphore_mem>>) src(%arg5 : memref<632x128xf32, #tpu.memory_space<hbm>>) dst(%dma_wait3A_12 : memref<632x128xf32, #tpu.memory_space<vmem_shared>>)
      tpu.yield
    }) : () -> ()
    %barrier3A = arith.constant 0 : index
    tpu.barrier barrier_id(%barrier3A)
    %scan3A = arith.constant 0 : i32
    %scan3A_1 = arith.constant 0 : i32
    %scan3A_2 = arith.constant 79 : i32
    %scan3A_3 = arith.addi %scan3A_1, %scan3A_2 : i32
    %scan3A_4 = arith.constant 1 : i32
    scf.for %scan3A_11 = %scan3A_1 to %scan3A_3 step %scan3A_4  : i32 {
      "tpu.region"() ({
        %run_scoped3A = tpu.sem_alloc : memref<!tpu.dma_semaphore, #tpu.memory_space<semaphore_mem>>
        %dma_start3A = arith.constant 0 : i32
        %dma_start3A_12 = tpu.memref_slice %arg7[%scan3A_11, %dma_start3A] : memref<79x128xi32, #tpu.memory_space<vmem>> -> memref<1x128xi32, #tpu.memory_space<vmem>>
        %dma_start3A_13 = tpu.memref_squeeze %dma_start3A_12 : memref<1x128xi32, #tpu.memory_space<vmem>> -> memref<128xi32, #tpu.memory_space<vmem>>
        %dma_start3A_14 = arith.constant 0 : i32
        %dma_start3A_15 = arith.constant 0 : i32
        %dma_start3A_16 = tpu.memref_slice %arg4[%dma_start3A_14, %dma_start3A_15] : memref<10000x128xf32, #tpu.memory_space<hbm>> -> memref<10000x128xf32, #tpu.memory_space<hbm>>
        tpu.enqueue_indirect_dma source(%dma_start3A_16 : memref<10000x128xf32, #tpu.memory_space<hbm>>) target(%arg9 : memref<128x128xf32, #tpu.memory_space<vmem>>) offsets(%dma_start3A_13 : memref<128xi32, #tpu.memory_space<vmem>>) semaphore(%run_scoped3A : memref<!tpu.dma_semaphore, #tpu.memory_space<semaphore_mem>>)
        %dma_wait3A = arith.constant 0 : i32
        %dma_wait3A_17 = tpu.memref_slice %arg7[%scan3A_11, %dma_wait3A] : memref<79x128xi32, #tpu.memory_space<vmem>> -> memref<1x128xi32, #tpu.memory_space<vmem>>
        %dma_wait3A_18 = tpu.memref_squeeze %dma_wait3A_17 : memref<1x128xi32, #tpu.memory_space<vmem>> -> memref<128xi32, #tpu.memory_space<vmem>>
        %dma_wait3A_19 = arith.constant 0 : i32
        %dma_wait3A_20 = arith.constant 0 : i32
        %dma_wait3A_21 = tpu.memref_slice %arg4[%dma_wait3A_19, %dma_wait3A_20] : memref<10000x128xf32, #tpu.memory_space<hbm>> -> memref<10000x128xf32, #tpu.memory_space<hbm>>
        tpu.wait_indirect_dma semaphore(%run_scoped3A : memref<!tpu.dma_semaphore, #tpu.memory_space<semaphore_mem>>) src(%dma_wait3A_21 : memref<10000x128xf32, #tpu.memory_space<hbm>>) dst(%arg9 : memref<128x128xf32, #tpu.memory_space<vmem>>)
        tpu.yield
      }) : () -> ()
      "tpu.region"() ({
        %run_scoped3A = tpu.sem_alloc : memref<!tpu.dma_semaphore, #tpu.memory_space<semaphore_mem>>
        %dma_start3A = arith.constant 0 : i32
        %dma_start3A_12 = tpu.memref_slice %arg8[%scan3A_11, %dma_start3A] : memref<79x128xi32, #tpu.memory_space<vmem>> -> memref<1x128xi32, #tpu.memory_space<vmem>>
        %dma_start3A_13 = tpu.memref_squeeze %dma_start3A_12 : memref<1x128xi32, #tpu.memory_space<vmem>> -> memref<128xi32, #tpu.memory_space<vmem>>
        %dma_start3A_14 = arith.constant 0 : i32
        %dma_start3A_15 = arith.constant 0 : i32
        %dma_start3A_16 = tpu.memref_slice %arg10[%dma_start3A_14, %dma_start3A_15] : memref<10112x128xf32, #tpu.memory_space<vmem_shared>> -> memref<10112x128xf32, #tpu.memory_space<vmem_shared>>
        tpu.enqueue_indirect_dma source(%arg9 : memref<128x128xf32, #tpu.memory_space<vmem>>) target(%dma_start3A_16 : memref<10112x128xf32, #tpu.memory_space<vmem_shared>>) offsets(%dma_start3A_13 : memref<128xi32, #tpu.memory_space<vmem>>) semaphore(%run_scoped3A : memref<!tpu.dma_semaphore, #tpu.memory_space<semaphore_mem>>) {add = true}
        %dma_wait3A = arith.constant 0 : i32
        %dma_wait3A_17 = tpu.memref_slice %arg8[%scan3A_11, %dma_wait3A] : memref<79x128xi32, #tpu.memory_space<vmem>> -> memref<1x128xi32, #tpu.memory_space<vmem>>
        %dma_wait3A_18 = tpu.memref_squeeze %dma_wait3A_17 : memref<1x128xi32, #tpu.memory_space<vmem>> -> memref<128xi32, #tpu.memory_space<vmem>>
        %dma_wait3A_19 = arith.constant 0 : i32
        %dma_wait3A_20 = arith.constant 0 : i32
        %dma_wait3A_21 = tpu.memref_slice %arg10[%dma_wait3A_19, %dma_wait3A_20] : memref<10112x128xf32, #tpu.memory_space<vmem_shared>> -> memref<10112x128xf32, #tpu.memory_space<vmem_shared>>
        tpu.wait_indirect_dma semaphore(%run_scoped3A : memref<!tpu.dma_semaphore, #tpu.memory_space<semaphore_mem>>) src(%arg9 : memref<128x128xf32, #tpu.memory_space<vmem>>) dst(%dma_wait3A_21 : memref<10112x128xf32, #tpu.memory_space<vmem_shared>>)
        tpu.yield
      }) : () -> ()
    }
    %scan3A_5 = arith.constant 79 : i32
    %barrier3A_6 = arith.constant 0 : index
    tpu.barrier barrier_id(%barrier3A_6)
    %mul3A_7 = arith.constant 632 : i32
    %mul3A_8 = arith.muli %arg1, %mul3A_7 : i32
    %mul3A_9 = arith.constant 632 : i32
    %mul3A_10 = arith.muli %arg1, %mul3A_9 : i32
    "tpu.region"() ({
      %run_scoped3A = tpu.sem_alloc : memref<!tpu.dma_semaphore, #tpu.memory_space<semaphore_mem>>
      %dma_start3A = arith.constant 0 : i32
      %dma_start3A_11 = tpu.memref_slice %arg6[%arg0, %mul3A_10, %dma_start3A] : memref<2x10112x128xf32, #tpu.memory_space<hbm>> -> memref<1x632x128xf32, #tpu.memory_space<hbm>>
      %dma_start3A_12 = tpu.memref_squeeze %dma_start3A_11 : memref<1x632x128xf32, #tpu.memory_space<hbm>> -> memref<632x128xf32, #tpu.memory_space<hbm>>
      %dma_start3A_13 = arith.constant 0 : i32
      %dma_start3A_14 = tpu.memref_slice %arg10[%mul3A_8, %dma_start3A_13] : memref<10112x128xf32, #tpu.memory_space<vmem_shared>> -> memref<632x128xf32, #tpu.memory_space<vmem_shared>>
      tpu.enqueue_dma source(%dma_start3A_14 : memref<632x128xf32, #tpu.memory_space<vmem_shared>>) target(%dma_start3A_12 : memref<632x128xf32, #tpu.memory_space<hbm>>) target_semaphore(%run_scoped3A : memref<!tpu.dma_semaphore, #tpu.memory_space<semaphore_mem>>)
      %dma_wait3A = arith.constant 0 : i32
      %dma_wait3A_15 = tpu.memref_slice %arg6[%arg0, %mul3A_10, %dma_wait3A] : memref<2x10112x128xf32, #tpu.memory_space<hbm>> -> memref<1x632x128xf32, #tpu.memory_space<hbm>>
      %dma_wait3A_16 = tpu.memref_squeeze %dma_wait3A_15 : memref<1x632x128xf32, #tpu.memory_space<hbm>> -> memref<632x128xf32, #tpu.memory_space<hbm>>
      %dma_wait3A_17 = arith.constant 0 : i32
      %dma_wait3A_18 = tpu.memref_slice %arg10[%mul3A_8, %dma_wait3A_17] : memref<10112x128xf32, #tpu.memory_space<vmem_shared>> -> memref<632x128xf32, #tpu.memory_space<vmem_shared>>
      tpu.wait_dma2 semaphore(%run_scoped3A : memref<!tpu.dma_semaphore, #tpu.memory_space<semaphore_mem>>) src(%dma_wait3A_18 : memref<632x128xf32, #tpu.memory_space<vmem_shared>>) dst(%dma_wait3A_16 : memref<632x128xf32, #tpu.memory_space<hbm>>)
      tpu.yield
    }) : () -> ()
    return
  }
}

#map = affine_map<(d0, d1) -> (0, 0, 0, 0)>
#map1 = affine_map<(d0, d1) -> (0, 0)>
#map2 = affine_map<(d0, d1) -> (0, 0, 0)>
module attributes {stable_mosaic.version = 14 : i64} {
  func.func @deg(%arg0: i32, %arg1: i32, %arg2: memref<2x16x79x128xi32, #tpu.memory_space<hbm>>, %arg3: memref<128x128xf32, #tpu.memory_space<hbm>>, %arg4: memref<632x128xf32, #tpu.memory_space<hbm>>, %arg5: memref<2x10112x128xf32, #tpu.memory_space<hbm>>, %arg6: memref<79x128xi32, #tpu.memory_space<vmem>>, %arg7: memref<128x128xf32, #tpu.memory_space<vmem>>, %arg8: memref<10112x128xf32, #tpu.memory_space<vmem_shared>>) attributes {dimension_semantics = [#tpu.dimension_semantics<core_parallel>, #tpu.dimension_semantics<subcore_parallel>], iteration_bounds = array<i64: 2, 16>, scalar_prefetch = 0 : i64, scratch_operands = 3 : i64, tpu.core_type = #tpu.core_type<sc_vector_subcore>, window_params = [{transform_indices = #map}, {transform_indices = #map1}, {transform_indices = #map1}, {transform_indices = #map2}]} {
    "tpu.region"() ({
      %run_scoped3A = tpu.sem_alloc : memref<!tpu.dma_semaphore, #tpu.memory_space<semaphore_mem>>
      %dma_start3A = arith.constant 0 : i32
      %dma_start3A_11 = arith.constant 0 : i32
      %dma_start3A_12 = tpu.memref_slice %arg2[%arg0, %arg1, %dma_start3A, %dma_start3A_11] : memref<2x16x79x128xi32, #tpu.memory_space<hbm>> -> memref<1x1x79x128xi32, #tpu.memory_space<hbm>>
      %dma_start3A_13 = tpu.memref_squeeze %dma_start3A_12 : memref<1x1x79x128xi32, #tpu.memory_space<hbm>> -> memref<79x128xi32, #tpu.memory_space<hbm>>
      %dma_start3A_14 = arith.constant 0 : i32
      %dma_start3A_15 = arith.constant 0 : i32
      %dma_start3A_16 = tpu.memref_slice %arg2[%arg0, %arg1, %dma_start3A_14, %dma_start3A_15] : memref<2x16x79x128xi32, #tpu.memory_space<hbm>> -> memref<1x1x79x128xi32, #tpu.memory_space<hbm>>
      %dma_start3A_17 = tpu.memref_squeeze %dma_start3A_16 : memref<1x1x79x128xi32, #tpu.memory_space<hbm>> -> memref<79x128xi32, #tpu.memory_space<hbm>>
      tpu.enqueue_dma source(%dma_start3A_17 : memref<79x128xi32, #tpu.memory_space<hbm>>) target(%arg6 : memref<79x128xi32, #tpu.memory_space<vmem>>) target_semaphore(%run_scoped3A : memref<!tpu.dma_semaphore, #tpu.memory_space<semaphore_mem>>)
      %dma_wait3A = arith.constant 0 : i32
      %dma_wait3A_18 = arith.constant 0 : i32
      %dma_wait3A_19 = tpu.memref_slice %arg2[%arg0, %arg1, %dma_wait3A, %dma_wait3A_18] : memref<2x16x79x128xi32, #tpu.memory_space<hbm>> -> memref<1x1x79x128xi32, #tpu.memory_space<hbm>>
      %dma_wait3A_20 = tpu.memref_squeeze %dma_wait3A_19 : memref<1x1x79x128xi32, #tpu.memory_space<hbm>> -> memref<79x128xi32, #tpu.memory_space<hbm>>
      %dma_wait3A_21 = arith.constant 0 : i32
      %dma_wait3A_22 = arith.constant 0 : i32
      %dma_wait3A_23 = tpu.memref_slice %arg2[%arg0, %arg1, %dma_wait3A_21, %dma_wait3A_22] : memref<2x16x79x128xi32, #tpu.memory_space<hbm>> -> memref<1x1x79x128xi32, #tpu.memory_space<hbm>>
      %dma_wait3A_24 = tpu.memref_squeeze %dma_wait3A_23 : memref<1x1x79x128xi32, #tpu.memory_space<hbm>> -> memref<79x128xi32, #tpu.memory_space<hbm>>
      tpu.wait_dma2 semaphore(%run_scoped3A : memref<!tpu.dma_semaphore, #tpu.memory_space<semaphore_mem>>) src(%dma_wait3A_24 : memref<79x128xi32, #tpu.memory_space<hbm>>) dst(%arg6 : memref<79x128xi32, #tpu.memory_space<vmem>>)
      tpu.yield
    }) : () -> ()
    "tpu.region"() ({
      %run_scoped3A = tpu.sem_alloc : memref<!tpu.dma_semaphore, #tpu.memory_space<semaphore_mem>>
      tpu.enqueue_dma source(%arg3 : memref<128x128xf32, #tpu.memory_space<hbm>>) target(%arg7 : memref<128x128xf32, #tpu.memory_space<vmem>>) target_semaphore(%run_scoped3A : memref<!tpu.dma_semaphore, #tpu.memory_space<semaphore_mem>>)
      tpu.wait_dma2 semaphore(%run_scoped3A : memref<!tpu.dma_semaphore, #tpu.memory_space<semaphore_mem>>) src(%arg3 : memref<128x128xf32, #tpu.memory_space<hbm>>) dst(%arg7 : memref<128x128xf32, #tpu.memory_space<vmem>>)
      tpu.yield
    }) : () -> ()
    %mul3A = arith.constant 632 : i32
    %mul3A_0 = arith.muli %arg1, %mul3A : i32
    "tpu.region"() ({
      %run_scoped3A = tpu.sem_alloc : memref<!tpu.dma_semaphore, #tpu.memory_space<semaphore_mem>>
      %dma_start3A = arith.constant 0 : i32
      %dma_start3A_11 = tpu.memref_slice %arg8[%mul3A_0, %dma_start3A] : memref<10112x128xf32, #tpu.memory_space<vmem_shared>> -> memref<632x128xf32, #tpu.memory_space<vmem_shared>>
      tpu.enqueue_dma source(%arg4 : memref<632x128xf32, #tpu.memory_space<hbm>>) target(%dma_start3A_11 : memref<632x128xf32, #tpu.memory_space<vmem_shared>>) target_semaphore(%run_scoped3A : memref<!tpu.dma_semaphore, #tpu.memory_space<semaphore_mem>>)
      %dma_wait3A = arith.constant 0 : i32
      %dma_wait3A_12 = tpu.memref_slice %arg8[%mul3A_0, %dma_wait3A] : memref<10112x128xf32, #tpu.memory_space<vmem_shared>> -> memref<632x128xf32, #tpu.memory_space<vmem_shared>>
      tpu.wait_dma2 semaphore(%run_scoped3A : memref<!tpu.dma_semaphore, #tpu.memory_space<semaphore_mem>>) src(%arg4 : memref<632x128xf32, #tpu.memory_space<hbm>>) dst(%dma_wait3A_12 : memref<632x128xf32, #tpu.memory_space<vmem_shared>>)
      tpu.yield
    }) : () -> ()
    %barrier3A = arith.constant 0 : index
    tpu.barrier barrier_id(%barrier3A)
    %scan3A = arith.constant 0 : i32
    %scan3A_1 = arith.constant 0 : i32
    %scan3A_2 = arith.constant 79 : i32
    %scan3A_3 = arith.addi %scan3A_1, %scan3A_2 : i32
    %scan3A_4 = arith.constant 1 : i32
    scf.for %scan3A_11 = %scan3A_1 to %scan3A_3 step %scan3A_4  : i32 {
      "tpu.region"() ({
        %run_scoped3A = tpu.sem_alloc : memref<!tpu.dma_semaphore, #tpu.memory_space<semaphore_mem>>
        %dma_start3A = arith.constant 0 : i32
        %dma_start3A_12 = tpu.memref_slice %arg6[%scan3A_11, %dma_start3A] : memref<79x128xi32, #tpu.memory_space<vmem>> -> memref<1x128xi32, #tpu.memory_space<vmem>>
        %dma_start3A_13 = tpu.memref_squeeze %dma_start3A_12 : memref<1x128xi32, #tpu.memory_space<vmem>> -> memref<128xi32, #tpu.memory_space<vmem>>
        %dma_start3A_14 = arith.constant 0 : i32
        %dma_start3A_15 = arith.constant 0 : i32
        %dma_start3A_16 = tpu.memref_slice %arg8[%dma_start3A_14, %dma_start3A_15] : memref<10112x128xf32, #tpu.memory_space<vmem_shared>> -> memref<10112x128xf32, #tpu.memory_space<vmem_shared>>
        tpu.enqueue_indirect_dma source(%arg7 : memref<128x128xf32, #tpu.memory_space<vmem>>) target(%dma_start3A_16 : memref<10112x128xf32, #tpu.memory_space<vmem_shared>>) offsets(%dma_start3A_13 : memref<128xi32, #tpu.memory_space<vmem>>) semaphore(%run_scoped3A : memref<!tpu.dma_semaphore, #tpu.memory_space<semaphore_mem>>) {add = true}
        %dma_wait3A = arith.constant 0 : i32
        %dma_wait3A_17 = tpu.memref_slice %arg6[%scan3A_11, %dma_wait3A] : memref<79x128xi32, #tpu.memory_space<vmem>> -> memref<1x128xi32, #tpu.memory_space<vmem>>
        %dma_wait3A_18 = tpu.memref_squeeze %dma_wait3A_17 : memref<1x128xi32, #tpu.memory_space<vmem>> -> memref<128xi32, #tpu.memory_space<vmem>>
        %dma_wait3A_19 = arith.constant 0 : i32
        %dma_wait3A_20 = arith.constant 0 : i32
        %dma_wait3A_21 = tpu.memref_slice %arg8[%dma_wait3A_19, %dma_wait3A_20] : memref<10112x128xf32, #tpu.memory_space<vmem_shared>> -> memref<10112x128xf32, #tpu.memory_space<vmem_shared>>
        tpu.wait_indirect_dma semaphore(%run_scoped3A : memref<!tpu.dma_semaphore, #tpu.memory_space<semaphore_mem>>) src(%arg7 : memref<128x128xf32, #tpu.memory_space<vmem>>) dst(%dma_wait3A_21 : memref<10112x128xf32, #tpu.memory_space<vmem_shared>>)
        tpu.yield
      }) : () -> ()
    }
    %scan3A_5 = arith.constant 79 : i32
    %barrier3A_6 = arith.constant 0 : index
    tpu.barrier barrier_id(%barrier3A_6)
    %mul3A_7 = arith.constant 632 : i32
    %mul3A_8 = arith.muli %arg1, %mul3A_7 : i32
    %mul3A_9 = arith.constant 632 : i32
    %mul3A_10 = arith.muli %arg1, %mul3A_9 : i32
    "tpu.region"() ({
      %run_scoped3A = tpu.sem_alloc : memref<!tpu.dma_semaphore, #tpu.memory_space<semaphore_mem>>
      %dma_start3A = arith.constant 0 : i32
      %dma_start3A_11 = tpu.memref_slice %arg5[%arg0, %mul3A_10, %dma_start3A] : memref<2x10112x128xf32, #tpu.memory_space<hbm>> -> memref<1x632x128xf32, #tpu.memory_space<hbm>>
      %dma_start3A_12 = tpu.memref_squeeze %dma_start3A_11 : memref<1x632x128xf32, #tpu.memory_space<hbm>> -> memref<632x128xf32, #tpu.memory_space<hbm>>
      %dma_start3A_13 = arith.constant 0 : i32
      %dma_start3A_14 = tpu.memref_slice %arg8[%mul3A_8, %dma_start3A_13] : memref<10112x128xf32, #tpu.memory_space<vmem_shared>> -> memref<632x128xf32, #tpu.memory_space<vmem_shared>>
      tpu.enqueue_dma source(%dma_start3A_14 : memref<632x128xf32, #tpu.memory_space<vmem_shared>>) target(%dma_start3A_12 : memref<632x128xf32, #tpu.memory_space<hbm>>) target_semaphore(%run_scoped3A : memref<!tpu.dma_semaphore, #tpu.memory_space<semaphore_mem>>)
      %dma_wait3A = arith.constant 0 : i32
      %dma_wait3A_15 = tpu.memref_slice %arg5[%arg0, %mul3A_10, %dma_wait3A] : memref<2x10112x128xf32, #tpu.memory_space<hbm>> -> memref<1x632x128xf32, #tpu.memory_space<hbm>>
      %dma_wait3A_16 = tpu.memref_squeeze %dma_wait3A_15 : memref<1x632x128xf32, #tpu.memory_space<hbm>> -> memref<632x128xf32, #tpu.memory_space<hbm>>
      %dma_wait3A_17 = arith.constant 0 : i32
      %dma_wait3A_18 = tpu.memref_slice %arg8[%mul3A_8, %dma_wait3A_17] : memref<10112x128xf32, #tpu.memory_space<vmem_shared>> -> memref<632x128xf32, #tpu.memory_space<vmem_shared>>
      tpu.wait_dma2 semaphore(%run_scoped3A : memref<!tpu.dma_semaphore, #tpu.memory_space<semaphore_mem>>) src(%dma_wait3A_18 : memref<632x128xf32, #tpu.memory_space<vmem_shared>>) dst(%dma_wait3A_16 : memref<632x128xf32, #tpu.memory_space<hbm>>)
      tpu.yield
    }) : () -> ()
    return
  }
}

#map = affine_map<(d0, d1) -> (0, 0, 0, 0)>
#map1 = affine_map<(d0, d1) -> (0, 0)>
#map2 = affine_map<(d0, d1) -> (0, 0, 0)>
module attributes {stable_mosaic.version = 14 : i64} {
  func.func @agg(%arg0: i32, %arg1: i32, %arg2: memref<2x16x79x128xi32, #tpu.memory_space<hbm>>, %arg3: memref<2x16x79x128xi32, #tpu.memory_space<hbm>>, %arg4: memref<10000x128xf32, #tpu.memory_space<hbm>>, %arg5: memref<632x128xf32, #tpu.memory_space<hbm>>, %arg6: memref<2x10112x128xf32, #tpu.memory_space<hbm>>, %arg7: memref<79x128xi32, #tpu.memory_space<vmem>>, %arg8: memref<79x128xi32, #tpu.memory_space<vmem>>, %arg9: memref<128x128xf32, #tpu.memory_space<vmem>>, %arg10: memref<10112x128xf32, #tpu.memory_space<vmem_shared>>) attributes {dimension_semantics = [#tpu.dimension_semantics<core_parallel>, #tpu.dimension_semantics<subcore_parallel>], iteration_bounds = array<i64: 2, 16>, scalar_prefetch = 0 : i64, scratch_operands = 4 : i64, tpu.core_type = #tpu.core_type<sc_vector_subcore>, window_params = [{transform_indices = #map}, {transform_indices = #map}, {transform_indices = #map1}, {transform_indices = #map1}, {transform_indices = #map2}]} {
    "tpu.region"() ({
      %run_scoped3A = tpu.sem_alloc : memref<!tpu.dma_semaphore, #tpu.memory_space<semaphore_mem>>
      %dma_start3A = arith.constant 0 : i32
      %dma_start3A_11 = arith.constant 0 : i32
      %dma_start3A_12 = tpu.memref_slice %arg2[%arg0, %arg1, %dma_start3A, %dma_start3A_11] : memref<2x16x79x128xi32, #tpu.memory_space<hbm>> -> memref<1x1x79x128xi32, #tpu.memory_space<hbm>>
      %dma_start3A_13 = tpu.memref_squeeze %dma_start3A_12 : memref<1x1x79x128xi32, #tpu.memory_space<hbm>> -> memref<79x128xi32, #tpu.memory_space<hbm>>
      %dma_start3A_14 = arith.constant 0 : i32
      %dma_start3A_15 = arith.constant 0 : i32
      %dma_start3A_16 = tpu.memref_slice %arg2[%arg0, %arg1, %dma_start3A_14, %dma_start3A_15] : memref<2x16x79x128xi32, #tpu.memory_space<hbm>> -> memref<1x1x79x128xi32, #tpu.memory_space<hbm>>
      %dma_start3A_17 = tpu.memref_squeeze %dma_start3A_16 : memref<1x1x79x128xi32, #tpu.memory_space<hbm>> -> memref<79x128xi32, #tpu.memory_space<hbm>>
      tpu.enqueue_dma source(%dma_start3A_17 : memref<79x128xi32, #tpu.memory_space<hbm>>) target(%arg7 : memref<79x128xi32, #tpu.memory_space<vmem>>) target_semaphore(%run_scoped3A : memref<!tpu.dma_semaphore, #tpu.memory_space<semaphore_mem>>)
      %dma_wait3A = arith.constant 0 : i32
      %dma_wait3A_18 = arith.constant 0 : i32
      %dma_wait3A_19 = tpu.memref_slice %arg2[%arg0, %arg1, %dma_wait3A, %dma_wait3A_18] : memref<2x16x79x128xi32, #tpu.memory_space<hbm>> -> memref<1x1x79x128xi32, #tpu.memory_space<hbm>>
      %dma_wait3A_20 = tpu.memref_squeeze %dma_wait3A_19 : memref<1x1x79x128xi32, #tpu.memory_space<hbm>> -> memref<79x128xi32, #tpu.memory_space<hbm>>
      %dma_wait3A_21 = arith.constant 0 : i32
      %dma_wait3A_22 = arith.constant 0 : i32
      %dma_wait3A_23 = tpu.memref_slice %arg2[%arg0, %arg1, %dma_wait3A_21, %dma_wait3A_22] : memref<2x16x79x128xi32, #tpu.memory_space<hbm>> -> memref<1x1x79x128xi32, #tpu.memory_space<hbm>>
      %dma_wait3A_24 = tpu.memref_squeeze %dma_wait3A_23 : memref<1x1x79x128xi32, #tpu.memory_space<hbm>> -> memref<79x128xi32, #tpu.memory_space<hbm>>
      tpu.wait_dma2 semaphore(%run_scoped3A : memref<!tpu.dma_semaphore, #tpu.memory_space<semaphore_mem>>) src(%dma_wait3A_24 : memref<79x128xi32, #tpu.memory_space<hbm>>) dst(%arg7 : memref<79x128xi32, #tpu.memory_space<vmem>>)
      tpu.yield
    }) : () -> ()
    "tpu.region"() ({
      %run_scoped3A = tpu.sem_alloc : memref<!tpu.dma_semaphore, #tpu.memory_space<semaphore_mem>>
      %dma_start3A = arith.constant 0 : i32
      %dma_start3A_11 = arith.constant 0 : i32
      %dma_start3A_12 = tpu.memref_slice %arg3[%arg0, %arg1, %dma_start3A, %dma_start3A_11] : memref<2x16x79x128xi32, #tpu.memory_space<hbm>> -> memref<1x1x79x128xi32, #tpu.memory_space<hbm>>
      %dma_start3A_13 = tpu.memref_squeeze %dma_start3A_12 : memref<1x1x79x128xi32, #tpu.memory_space<hbm>> -> memref<79x128xi32, #tpu.memory_space<hbm>>
      %dma_start3A_14 = arith.constant 0 : i32
      %dma_start3A_15 = arith.constant 0 : i32
      %dma_start3A_16 = tpu.memref_slice %arg3[%arg0, %arg1, %dma_start3A_14, %dma_start3A_15] : memref<2x16x79x128xi32, #tpu.memory_space<hbm>> -> memref<1x1x79x128xi32, #tpu.memory_space<hbm>>
      %dma_start3A_17 = tpu.memref_squeeze %dma_start3A_16 : memref<1x1x79x128xi32, #tpu.memory_space<hbm>> -> memref<79x128xi32, #tpu.memory_space<hbm>>
      tpu.enqueue_dma source(%dma_start3A_17 : memref<79x128xi32, #tpu.memory_space<hbm>>) target(%arg8 : memref<79x128xi32, #tpu.memory_space<vmem>>) target_semaphore(%run_scoped3A : memref<!tpu.dma_semaphore, #tpu.memory_space<semaphore_mem>>)
      %dma_wait3A = arith.constant 0 : i32
      %dma_wait3A_18 = arith.constant 0 : i32
      %dma_wait3A_19 = tpu.memref_slice %arg3[%arg0, %arg1, %dma_wait3A, %dma_wait3A_18] : memref<2x16x79x128xi32, #tpu.memory_space<hbm>> -> memref<1x1x79x128xi32, #tpu.memory_space<hbm>>
      %dma_wait3A_20 = tpu.memref_squeeze %dma_wait3A_19 : memref<1x1x79x128xi32, #tpu.memory_space<hbm>> -> memref<79x128xi32, #tpu.memory_space<hbm>>
      %dma_wait3A_21 = arith.constant 0 : i32
      %dma_wait3A_22 = arith.constant 0 : i32
      %dma_wait3A_23 = tpu.memref_slice %arg3[%arg0, %arg1, %dma_wait3A_21, %dma_wait3A_22] : memref<2x16x79x128xi32, #tpu.memory_space<hbm>> -> memref<1x1x79x128xi32, #tpu.memory_space<hbm>>
      %dma_wait3A_24 = tpu.memref_squeeze %dma_wait3A_23 : memref<1x1x79x128xi32, #tpu.memory_space<hbm>> -> memref<79x128xi32, #tpu.memory_space<hbm>>
      tpu.wait_dma2 semaphore(%run_scoped3A : memref<!tpu.dma_semaphore, #tpu.memory_space<semaphore_mem>>) src(%dma_wait3A_24 : memref<79x128xi32, #tpu.memory_space<hbm>>) dst(%arg8 : memref<79x128xi32, #tpu.memory_space<vmem>>)
      tpu.yield
    }) : () -> ()
    %mul3A = arith.constant 632 : i32
    %mul3A_0 = arith.muli %arg1, %mul3A : i32
    "tpu.region"() ({
      %run_scoped3A = tpu.sem_alloc : memref<!tpu.dma_semaphore, #tpu.memory_space<semaphore_mem>>
      %dma_start3A = arith.constant 0 : i32
      %dma_start3A_11 = tpu.memref_slice %arg10[%mul3A_0, %dma_start3A] : memref<10112x128xf32, #tpu.memory_space<vmem_shared>> -> memref<632x128xf32, #tpu.memory_space<vmem_shared>>
      tpu.enqueue_dma source(%arg5 : memref<632x128xf32, #tpu.memory_space<hbm>>) target(%dma_start3A_11 : memref<632x128xf32, #tpu.memory_space<vmem_shared>>) target_semaphore(%run_scoped3A : memref<!tpu.dma_semaphore, #tpu.memory_space<semaphore_mem>>)
      %dma_wait3A = arith.constant 0 : i32
      %dma_wait3A_12 = tpu.memref_slice %arg10[%mul3A_0, %dma_wait3A] : memref<10112x128xf32, #tpu.memory_space<vmem_shared>> -> memref<632x128xf32, #tpu.memory_space<vmem_shared>>
      tpu.wait_dma2 semaphore(%run_scoped3A : memref<!tpu.dma_semaphore, #tpu.memory_space<semaphore_mem>>) src(%arg5 : memref<632x128xf32, #tpu.memory_space<hbm>>) dst(%dma_wait3A_12 : memref<632x128xf32, #tpu.memory_space<vmem_shared>>)
      tpu.yield
    }) : () -> ()
    %barrier3A = arith.constant 0 : index
    tpu.barrier barrier_id(%barrier3A)
    %scan3A = arith.constant 0 : i32
    %scan3A_1 = arith.constant 0 : i32
    %scan3A_2 = arith.constant 79 : i32
    %scan3A_3 = arith.addi %scan3A_1, %scan3A_2 : i32
    %scan3A_4 = arith.constant 1 : i32
    scf.for %scan3A_11 = %scan3A_1 to %scan3A_3 step %scan3A_4  : i32 {
      "tpu.region"() ({
        %run_scoped3A = tpu.sem_alloc : memref<!tpu.dma_semaphore, #tpu.memory_space<semaphore_mem>>
        %dma_start3A = arith.constant 0 : i32
        %dma_start3A_12 = tpu.memref_slice %arg7[%scan3A_11, %dma_start3A] : memref<79x128xi32, #tpu.memory_space<vmem>> -> memref<1x128xi32, #tpu.memory_space<vmem>>
        %dma_start3A_13 = tpu.memref_squeeze %dma_start3A_12 : memref<1x128xi32, #tpu.memory_space<vmem>> -> memref<128xi32, #tpu.memory_space<vmem>>
        %dma_start3A_14 = arith.constant 0 : i32
        %dma_start3A_15 = arith.constant 0 : i32
        %dma_start3A_16 = tpu.memref_slice %arg4[%dma_start3A_14, %dma_start3A_15] : memref<10000x128xf32, #tpu.memory_space<hbm>> -> memref<10000x128xf32, #tpu.memory_space<hbm>>
        tpu.enqueue_indirect_dma source(%dma_start3A_16 : memref<10000x128xf32, #tpu.memory_space<hbm>>) target(%arg9 : memref<128x128xf32, #tpu.memory_space<vmem>>) offsets(%dma_start3A_13 : memref<128xi32, #tpu.memory_space<vmem>>) semaphore(%run_scoped3A : memref<!tpu.dma_semaphore, #tpu.memory_space<semaphore_mem>>)
        %dma_wait3A = arith.constant 0 : i32
        %dma_wait3A_17 = tpu.memref_slice %arg7[%scan3A_11, %dma_wait3A] : memref<79x128xi32, #tpu.memory_space<vmem>> -> memref<1x128xi32, #tpu.memory_space<vmem>>
        %dma_wait3A_18 = tpu.memref_squeeze %dma_wait3A_17 : memref<1x128xi32, #tpu.memory_space<vmem>> -> memref<128xi32, #tpu.memory_space<vmem>>
        %dma_wait3A_19 = arith.constant 0 : i32
        %dma_wait3A_20 = arith.constant 0 : i32
        %dma_wait3A_21 = tpu.memref_slice %arg4[%dma_wait3A_19, %dma_wait3A_20] : memref<10000x128xf32, #tpu.memory_space<hbm>> -> memref<10000x128xf32, #tpu.memory_space<hbm>>
        tpu.wait_indirect_dma semaphore(%run_scoped3A : memref<!tpu.dma_semaphore, #tpu.memory_space<semaphore_mem>>) src(%dma_wait3A_21 : memref<10000x128xf32, #tpu.memory_space<hbm>>) dst(%arg9 : memref<128x128xf32, #tpu.memory_space<vmem>>)
        tpu.yield
      }) : () -> ()
      "tpu.region"() ({
        %run_scoped3A = tpu.sem_alloc : memref<!tpu.dma_semaphore, #tpu.memory_space<semaphore_mem>>
        %dma_start3A = arith.constant 0 : i32
        %dma_start3A_12 = tpu.memref_slice %arg8[%scan3A_11, %dma_start3A] : memref<79x128xi32, #tpu.memory_space<vmem>> -> memref<1x128xi32, #tpu.memory_space<vmem>>
        %dma_start3A_13 = tpu.memref_squeeze %dma_start3A_12 : memref<1x128xi32, #tpu.memory_space<vmem>> -> memref<128xi32, #tpu.memory_space<vmem>>
        %dma_start3A_14 = arith.constant 0 : i32
        %dma_start3A_15 = arith.constant 0 : i32
        %dma_start3A_16 = tpu.memref_slice %arg10[%dma_start3A_14, %dma_start3A_15] : memref<10112x128xf32, #tpu.memory_space<vmem_shared>> -> memref<10112x128xf32, #tpu.memory_space<vmem_shared>>
        tpu.enqueue_indirect_dma source(%arg9 : memref<128x128xf32, #tpu.memory_space<vmem>>) target(%dma_start3A_16 : memref<10112x128xf32, #tpu.memory_space<vmem_shared>>) offsets(%dma_start3A_13 : memref<128xi32, #tpu.memory_space<vmem>>) semaphore(%run_scoped3A : memref<!tpu.dma_semaphore, #tpu.memory_space<semaphore_mem>>) {add = true}
        %dma_wait3A = arith.constant 0 : i32
        %dma_wait3A_17 = tpu.memref_slice %arg8[%scan3A_11, %dma_wait3A] : memref<79x128xi32, #tpu.memory_space<vmem>> -> memref<1x128xi32, #tpu.memory_space<vmem>>
        %dma_wait3A_18 = tpu.memref_squeeze %dma_wait3A_17 : memref<1x128xi32, #tpu.memory_space<vmem>> -> memref<128xi32, #tpu.memory_space<vmem>>
        %dma_wait3A_19 = arith.constant 0 : i32
        %dma_wait3A_20 = arith.constant 0 : i32
        %dma_wait3A_21 = tpu.memref_slice %arg10[%dma_wait3A_19, %dma_wait3A_20] : memref<10112x128xf32, #tpu.memory_space<vmem_shared>> -> memref<10112x128xf32, #tpu.memory_space<vmem_shared>>
        tpu.wait_indirect_dma semaphore(%run_scoped3A : memref<!tpu.dma_semaphore, #tpu.memory_space<semaphore_mem>>) src(%arg9 : memref<128x128xf32, #tpu.memory_space<vmem>>) dst(%dma_wait3A_21 : memref<10112x128xf32, #tpu.memory_space<vmem_shared>>)
        tpu.yield
      }) : () -> ()
    }
    %scan3A_5 = arith.constant 79 : i32
    %barrier3A_6 = arith.constant 0 : index
    tpu.barrier barrier_id(%barrier3A_6)
    %mul3A_7 = arith.constant 632 : i32
    %mul3A_8 = arith.muli %arg1, %mul3A_7 : i32
    %mul3A_9 = arith.constant 632 : i32
    %mul3A_10 = arith.muli %arg1, %mul3A_9 : i32
    "tpu.region"() ({
      %run_scoped3A = tpu.sem_alloc : memref<!tpu.dma_semaphore, #tpu.memory_space<semaphore_mem>>
      %dma_start3A = arith.constant 0 : i32
      %dma_start3A_11 = tpu.memref_slice %arg6[%arg0, %mul3A_10, %dma_start3A] : memref<2x10112x128xf32, #tpu.memory_space<hbm>> -> memref<1x632x128xf32, #tpu.memory_space<hbm>>
      %dma_start3A_12 = tpu.memref_squeeze %dma_start3A_11 : memref<1x632x128xf32, #tpu.memory_space<hbm>> -> memref<632x128xf32, #tpu.memory_space<hbm>>
      %dma_start3A_13 = arith.constant 0 : i32
      %dma_start3A_14 = tpu.memref_slice %arg10[%mul3A_8, %dma_start3A_13] : memref<10112x128xf32, #tpu.memory_space<vmem_shared>> -> memref<632x128xf32, #tpu.memory_space<vmem_shared>>
      tpu.enqueue_dma source(%dma_start3A_14 : memref<632x128xf32, #tpu.memory_space<vmem_shared>>) target(%dma_start3A_12 : memref<632x128xf32, #tpu.memory_space<hbm>>) target_semaphore(%run_scoped3A : memref<!tpu.dma_semaphore, #tpu.memory_space<semaphore_mem>>)
      %dma_wait3A = arith.constant 0 : i32
      %dma_wait3A_15 = tpu.memref_slice %arg6[%arg0, %mul3A_10, %dma_wait3A] : memref<2x10112x128xf32, #tpu.memory_space<hbm>> -> memref<1x632x128xf32, #tpu.memory_space<hbm>>
      %dma_wait3A_16 = tpu.memref_squeeze %dma_wait3A_15 : memref<1x632x128xf32, #tpu.memory_space<hbm>> -> memref<632x128xf32, #tpu.memory_space<hbm>>
      %dma_wait3A_17 = arith.constant 0 : i32
      %dma_wait3A_18 = tpu.memref_slice %arg10[%mul3A_8, %dma_wait3A_17] : memref<10112x128xf32, #tpu.memory_space<vmem_shared>> -> memref<632x128xf32, #tpu.memory_space<vmem_shared>>
      tpu.wait_dma2 semaphore(%run_scoped3A : memref<!tpu.dma_semaphore, #tpu.memory_space<semaphore_mem>>) src(%dma_wait3A_18 : memref<632x128xf32, #tpu.memory_space<vmem_shared>>) dst(%dma_wait3A_16 : memref<632x128xf32, #tpu.memory_space<hbm>>)
      tpu.yield
    }) : () -> ()
    return
  }
}

#map = affine_map<(d0, d1) -> (0, 0, 0, 0)>
#map1 = affine_map<(d0, d1) -> (0, 0)>
#map2 = affine_map<(d0, d1) -> (0, 0, 0)>
module attributes {stable_mosaic.version = 14 : i64} {
  func.func @agg(%arg0: i32, %arg1: i32, %arg2: memref<2x16x79x128xi32, #tpu.memory_space<hbm>>, %arg3: memref<2x16x79x128xi32, #tpu.memory_space<hbm>>, %arg4: memref<10000x128xf32, #tpu.memory_space<hbm>>, %arg5: memref<632x128xf32, #tpu.memory_space<hbm>>, %arg6: memref<2x10112x128xf32, #tpu.memory_space<hbm>>, %arg7: memref<79x128xi32, #tpu.memory_space<vmem>>, %arg8: memref<79x128xi32, #tpu.memory_space<vmem>>, %arg9: memref<128x128xf32, #tpu.memory_space<vmem>>, %arg10: memref<10112x128xf32, #tpu.memory_space<vmem_shared>>) attributes {dimension_semantics = [#tpu.dimension_semantics<core_parallel>, #tpu.dimension_semantics<subcore_parallel>], iteration_bounds = array<i64: 2, 16>, scalar_prefetch = 0 : i64, scratch_operands = 4 : i64, tpu.core_type = #tpu.core_type<sc_vector_subcore>, window_params = [{transform_indices = #map}, {transform_indices = #map}, {transform_indices = #map1}, {transform_indices = #map1}, {transform_indices = #map2}]} {
    "tpu.region"() ({
      %run_scoped3A = tpu.sem_alloc : memref<!tpu.dma_semaphore, #tpu.memory_space<semaphore_mem>>
      %dma_start3A = arith.constant 0 : i32
      %dma_start3A_11 = arith.constant 0 : i32
      %dma_start3A_12 = tpu.memref_slice %arg2[%arg0, %arg1, %dma_start3A, %dma_start3A_11] : memref<2x16x79x128xi32, #tpu.memory_space<hbm>> -> memref<1x1x79x128xi32, #tpu.memory_space<hbm>>
      %dma_start3A_13 = tpu.memref_squeeze %dma_start3A_12 : memref<1x1x79x128xi32, #tpu.memory_space<hbm>> -> memref<79x128xi32, #tpu.memory_space<hbm>>
      %dma_start3A_14 = arith.constant 0 : i32
      %dma_start3A_15 = arith.constant 0 : i32
      %dma_start3A_16 = tpu.memref_slice %arg2[%arg0, %arg1, %dma_start3A_14, %dma_start3A_15] : memref<2x16x79x128xi32, #tpu.memory_space<hbm>> -> memref<1x1x79x128xi32, #tpu.memory_space<hbm>>
      %dma_start3A_17 = tpu.memref_squeeze %dma_start3A_16 : memref<1x1x79x128xi32, #tpu.memory_space<hbm>> -> memref<79x128xi32, #tpu.memory_space<hbm>>
      tpu.enqueue_dma source(%dma_start3A_17 : memref<79x128xi32, #tpu.memory_space<hbm>>) target(%arg7 : memref<79x128xi32, #tpu.memory_space<vmem>>) target_semaphore(%run_scoped3A : memref<!tpu.dma_semaphore, #tpu.memory_space<semaphore_mem>>)
      %dma_wait3A = arith.constant 0 : i32
      %dma_wait3A_18 = arith.constant 0 : i32
      %dma_wait3A_19 = tpu.memref_slice %arg2[%arg0, %arg1, %dma_wait3A, %dma_wait3A_18] : memref<2x16x79x128xi32, #tpu.memory_space<hbm>> -> memref<1x1x79x128xi32, #tpu.memory_space<hbm>>
      %dma_wait3A_20 = tpu.memref_squeeze %dma_wait3A_19 : memref<1x1x79x128xi32, #tpu.memory_space<hbm>> -> memref<79x128xi32, #tpu.memory_space<hbm>>
      %dma_wait3A_21 = arith.constant 0 : i32
      %dma_wait3A_22 = arith.constant 0 : i32
      %dma_wait3A_23 = tpu.memref_slice %arg2[%arg0, %arg1, %dma_wait3A_21, %dma_wait3A_22] : memref<2x16x79x128xi32, #tpu.memory_space<hbm>> -> memref<1x1x79x128xi32, #tpu.memory_space<hbm>>
      %dma_wait3A_24 = tpu.memref_squeeze %dma_wait3A_23 : memref<1x1x79x128xi32, #tpu.memory_space<hbm>> -> memref<79x128xi32, #tpu.memory_space<hbm>>
      tpu.wait_dma2 semaphore(%run_scoped3A : memref<!tpu.dma_semaphore, #tpu.memory_space<semaphore_mem>>) src(%dma_wait3A_24 : memref<79x128xi32, #tpu.memory_space<hbm>>) dst(%arg7 : memref<79x128xi32, #tpu.memory_space<vmem>>)
      tpu.yield
    }) : () -> ()
    "tpu.region"() ({
      %run_scoped3A = tpu.sem_alloc : memref<!tpu.dma_semaphore, #tpu.memory_space<semaphore_mem>>
      %dma_start3A = arith.constant 0 : i32
      %dma_start3A_11 = arith.constant 0 : i32
      %dma_start3A_12 = tpu.memref_slice %arg3[%arg0, %arg1, %dma_start3A, %dma_start3A_11] : memref<2x16x79x128xi32, #tpu.memory_space<hbm>> -> memref<1x1x79x128xi32, #tpu.memory_space<hbm>>
      %dma_start3A_13 = tpu.memref_squeeze %dma_start3A_12 : memref<1x1x79x128xi32, #tpu.memory_space<hbm>> -> memref<79x128xi32, #tpu.memory_space<hbm>>
      %dma_start3A_14 = arith.constant 0 : i32
      %dma_start3A_15 = arith.constant 0 : i32
      %dma_start3A_16 = tpu.memref_slice %arg3[%arg0, %arg1, %dma_start3A_14, %dma_start3A_15] : memref<2x16x79x128xi32, #tpu.memory_space<hbm>> -> memref<1x1x79x128xi32, #tpu.memory_space<hbm>>
      %dma_start3A_17 = tpu.memref_squeeze %dma_start3A_16 : memref<1x1x79x128xi32, #tpu.memory_space<hbm>> -> memref<79x128xi32, #tpu.memory_space<hbm>>
      tpu.enqueue_dma source(%dma_start3A_17 : memref<79x128xi32, #tpu.memory_space<hbm>>) target(%arg8 : memref<79x128xi32, #tpu.memory_space<vmem>>) target_semaphore(%run_scoped3A : memref<!tpu.dma_semaphore, #tpu.memory_space<semaphore_mem>>)
      %dma_wait3A = arith.constant 0 : i32
      %dma_wait3A_18 = arith.constant 0 : i32
      %dma_wait3A_19 = tpu.memref_slice %arg3[%arg0, %arg1, %dma_wait3A, %dma_wait3A_18] : memref<2x16x79x128xi32, #tpu.memory_space<hbm>> -> memref<1x1x79x128xi32, #tpu.memory_space<hbm>>
      %dma_wait3A_20 = tpu.memref_squeeze %dma_wait3A_19 : memref<1x1x79x128xi32, #tpu.memory_space<hbm>> -> memref<79x128xi32, #tpu.memory_space<hbm>>
      %dma_wait3A_21 = arith.constant 0 : i32
      %dma_wait3A_22 = arith.constant 0 : i32
      %dma_wait3A_23 = tpu.memref_slice %arg3[%arg0, %arg1, %dma_wait3A_21, %dma_wait3A_22] : memref<2x16x79x128xi32, #tpu.memory_space<hbm>> -> memref<1x1x79x128xi32, #tpu.memory_space<hbm>>
      %dma_wait3A_24 = tpu.memref_squeeze %dma_wait3A_23 : memref<1x1x79x128xi32, #tpu.memory_space<hbm>> -> memref<79x128xi32, #tpu.memory_space<hbm>>
      tpu.wait_dma2 semaphore(%run_scoped3A : memref<!tpu.dma_semaphore, #tpu.memory_space<semaphore_mem>>) src(%dma_wait3A_24 : memref<79x128xi32, #tpu.memory_space<hbm>>) dst(%arg8 : memref<79x128xi32, #tpu.memory_space<vmem>>)
      tpu.yield
    }) : () -> ()
    %mul3A = arith.constant 632 : i32
    %mul3A_0 = arith.muli %arg1, %mul3A : i32
    "tpu.region"() ({
      %run_scoped3A = tpu.sem_alloc : memref<!tpu.dma_semaphore, #tpu.memory_space<semaphore_mem>>
      %dma_start3A = arith.constant 0 : i32
      %dma_start3A_11 = tpu.memref_slice %arg10[%mul3A_0, %dma_start3A] : memref<10112x128xf32, #tpu.memory_space<vmem_shared>> -> memref<632x128xf32, #tpu.memory_space<vmem_shared>>
      tpu.enqueue_dma source(%arg5 : memref<632x128xf32, #tpu.memory_space<hbm>>) target(%dma_start3A_11 : memref<632x128xf32, #tpu.memory_space<vmem_shared>>) target_semaphore(%run_scoped3A : memref<!tpu.dma_semaphore, #tpu.memory_space<semaphore_mem>>)
      %dma_wait3A = arith.constant 0 : i32
      %dma_wait3A_12 = tpu.memref_slice %arg10[%mul3A_0, %dma_wait3A] : memref<10112x128xf32, #tpu.memory_space<vmem_shared>> -> memref<632x128xf32, #tpu.memory_space<vmem_shared>>
      tpu.wait_dma2 semaphore(%run_scoped3A : memref<!tpu.dma_semaphore, #tpu.memory_space<semaphore_mem>>) src(%arg5 : memref<632x128xf32, #tpu.memory_space<hbm>>) dst(%dma_wait3A_12 : memref<632x128xf32, #tpu.memory_space<vmem_shared>>)
      tpu.yield
    }) : () -> ()
    %barrier3A = arith.constant 0 : index
    tpu.barrier barrier_id(%barrier3A)
    %scan3A = arith.constant 0 : i32
    %scan3A_1 = arith.constant 0 : i32
    %scan3A_2 = arith.constant 79 : i32
    %scan3A_3 = arith.addi %scan3A_1, %scan3A_2 : i32
    %scan3A_4 = arith.constant 1 : i32
    scf.for %scan3A_11 = %scan3A_1 to %scan3A_3 step %scan3A_4  : i32 {
      "tpu.region"() ({
        %run_scoped3A = tpu.sem_alloc : memref<!tpu.dma_semaphore, #tpu.memory_space<semaphore_mem>>
        %dma_start3A = arith.constant 0 : i32
        %dma_start3A_12 = tpu.memref_slice %arg7[%scan3A_11, %dma_start3A] : memref<79x128xi32, #tpu.memory_space<vmem>> -> memref<1x128xi32, #tpu.memory_space<vmem>>
        %dma_start3A_13 = tpu.memref_squeeze %dma_start3A_12 : memref<1x128xi32, #tpu.memory_space<vmem>> -> memref<128xi32, #tpu.memory_space<vmem>>
        %dma_start3A_14 = arith.constant 0 : i32
        %dma_start3A_15 = arith.constant 0 : i32
        %dma_start3A_16 = tpu.memref_slice %arg4[%dma_start3A_14, %dma_start3A_15] : memref<10000x128xf32, #tpu.memory_space<hbm>> -> memref<10000x128xf32, #tpu.memory_space<hbm>>
        tpu.enqueue_indirect_dma source(%dma_start3A_16 : memref<10000x128xf32, #tpu.memory_space<hbm>>) target(%arg9 : memref<128x128xf32, #tpu.memory_space<vmem>>) offsets(%dma_start3A_13 : memref<128xi32, #tpu.memory_space<vmem>>) semaphore(%run_scoped3A : memref<!tpu.dma_semaphore, #tpu.memory_space<semaphore_mem>>)
        %dma_wait3A = arith.constant 0 : i32
        %dma_wait3A_17 = tpu.memref_slice %arg7[%scan3A_11, %dma_wait3A] : memref<79x128xi32, #tpu.memory_space<vmem>> -> memref<1x128xi32, #tpu.memory_space<vmem>>
        %dma_wait3A_18 = tpu.memref_squeeze %dma_wait3A_17 : memref<1x128xi32, #tpu.memory_space<vmem>> -> memref<128xi32, #tpu.memory_space<vmem>>
        %dma_wait3A_19 = arith.constant 0 : i32
        %dma_wait3A_20 = arith.constant 0 : i32
        %dma_wait3A_21 = tpu.memref_slice %arg4[%dma_wait3A_19, %dma_wait3A_20] : memref<10000x128xf32, #tpu.memory_space<hbm>> -> memref<10000x128xf32, #tpu.memory_space<hbm>>
        tpu.wait_indirect_dma semaphore(%run_scoped3A : memref<!tpu.dma_semaphore, #tpu.memory_space<semaphore_mem>>) src(%dma_wait3A_21 : memref<10000x128xf32, #tpu.memory_space<hbm>>) dst(%arg9 : memref<128x128xf32, #tpu.memory_space<vmem>>)
        tpu.yield
      }) : () -> ()
      "tpu.region"() ({
        %run_scoped3A = tpu.sem_alloc : memref<!tpu.dma_semaphore, #tpu.memory_space<semaphore_mem>>
        %dma_start3A = arith.constant 0 : i32
        %dma_start3A_12 = tpu.memref_slice %arg8[%scan3A_11, %dma_start3A] : memref<79x128xi32, #tpu.memory_space<vmem>> -> memref<1x128xi32, #tpu.memory_space<vmem>>
        %dma_start3A_13 = tpu.memref_squeeze %dma_start3A_12 : memref<1x128xi32, #tpu.memory_space<vmem>> -> memref<128xi32, #tpu.memory_space<vmem>>
        %dma_start3A_14 = arith.constant 0 : i32
        %dma_start3A_15 = arith.constant 0 : i32
        %dma_start3A_16 = tpu.memref_slice %arg10[%dma_start3A_14, %dma_start3A_15] : memref<10112x128xf32, #tpu.memory_space<vmem_shared>> -> memref<10112x128xf32, #tpu.memory_space<vmem_shared>>
        tpu.enqueue_indirect_dma source(%arg9 : memref<128x128xf32, #tpu.memory_space<vmem>>) target(%dma_start3A_16 : memref<10112x128xf32, #tpu.memory_space<vmem_shared>>) offsets(%dma_start3A_13 : memref<128xi32, #tpu.memory_space<vmem>>) semaphore(%run_scoped3A : memref<!tpu.dma_semaphore, #tpu.memory_space<semaphore_mem>>) {add = true}
        %dma_wait3A = arith.constant 0 : i32
        %dma_wait3A_17 = tpu.memref_slice %arg8[%scan3A_11, %dma_wait3A] : memref<79x128xi32, #tpu.memory_space<vmem>> -> memref<1x128xi32, #tpu.memory_space<vmem>>
        %dma_wait3A_18 = tpu.memref_squeeze %dma_wait3A_17 : memref<1x128xi32, #tpu.memory_space<vmem>> -> memref<128xi32, #tpu.memory_space<vmem>>
        %dma_wait3A_19 = arith.constant 0 : i32
        %dma_wait3A_20 = arith.constant 0 : i32
        %dma_wait3A_21 = tpu.memref_slice %arg10[%dma_wait3A_19, %dma_wait3A_20] : memref<10112x128xf32, #tpu.memory_space<vmem_shared>> -> memref<10112x128xf32, #tpu.memory_space<vmem_shared>>
        tpu.wait_indirect_dma semaphore(%run_scoped3A : memref<!tpu.dma_semaphore, #tpu.memory_space<semaphore_mem>>) src(%arg9 : memref<128x128xf32, #tpu.memory_space<vmem>>) dst(%dma_wait3A_21 : memref<10112x128xf32, #tpu.memory_space<vmem_shared>>)
        tpu.yield
      }) : () -> ()
    }
    %scan3A_5 = arith.constant 79 : i32
    %barrier3A_6 = arith.constant 0 : index
    tpu.barrier barrier_id(%barrier3A_6)
    %mul3A_7 = arith.constant 632 : i32
    %mul3A_8 = arith.muli %arg1, %mul3A_7 : i32
    %mul3A_9 = arith.constant 632 : i32
    %mul3A_10 = arith.muli %arg1, %mul3A_9 : i32
    "tpu.region"() ({
      %run_scoped3A = tpu.sem_alloc : memref<!tpu.dma_semaphore, #tpu.memory_space<semaphore_mem>>
      %dma_start3A = arith.constant 0 : i32
      %dma_start3A_11 = tpu.memref_slice %arg6[%arg0, %mul3A_10, %dma_start3A] : memref<2x10112x128xf32, #tpu.memory_space<hbm>> -> memref<1x632x128xf32, #tpu.memory_space<hbm>>
      %dma_start3A_12 = tpu.memref_squeeze %dma_start3A_11 : memref<1x632x128xf32, #tpu.memory_space<hbm>> -> memref<632x128xf32, #tpu.memory_space<hbm>>
      %dma_start3A_13 = arith.constant 0 : i32
      %dma_start3A_14 = tpu.memref_slice %arg10[%mul3A_8, %dma_start3A_13] : memref<10112x128xf32, #tpu.memory_space<vmem_shared>> -> memref<632x128xf32, #tpu.memory_space<vmem_shared>>
      tpu.enqueue_dma source(%dma_start3A_14 : memref<632x128xf32, #tpu.memory_space<vmem_shared>>) target(%dma_start3A_12 : memref<632x128xf32, #tpu.memory_space<hbm>>) target_semaphore(%run_scoped3A : memref<!tpu.dma_semaphore, #tpu.memory_space<semaphore_mem>>)
      %dma_wait3A = arith.constant 0 : i32
      %dma_wait3A_15 = tpu.memref_slice %arg6[%arg0, %mul3A_10, %dma_wait3A] : memref<2x10112x128xf32, #tpu.memory_space<hbm>> -> memref<1x632x128xf32, #tpu.memory_space<hbm>>
      %dma_wait3A_16 = tpu.memref_squeeze %dma_wait3A_15 : memref<1x632x128xf32, #tpu.memory_space<hbm>> -> memref<632x128xf32, #tpu.memory_space<hbm>>
      %dma_wait3A_17 = arith.constant 0 : i32
      %dma_wait3A_18 = tpu.memref_slice %arg10[%mul3A_8, %dma_wait3A_17] : memref<10112x128xf32, #tpu.memory_space<vmem_shared>> -> memref<632x128xf32, #tpu.memory_space<vmem_shared>>
      tpu.wait_dma2 semaphore(%run_scoped3A : memref<!tpu.dma_semaphore, #tpu.memory_space<semaphore_mem>>) src(%dma_wait3A_18 : memref<632x128xf32, #tpu.memory_space<vmem_shared>>) dst(%dma_wait3A_16 : memref<632x128xf32, #tpu.memory_space<hbm>>)
      tpu.yield
    }) : () -> ()
    return
  }
}

module attributes {stable_mosaic.version = 14 : i64} {
  func.func @_t1_body(%arg0: i32, %arg1: memref<2x1000x128xf32, #tpu.memory_space<vmem>>, %arg2: memref<1000x128xf32, #tpu.memory_space<vmem>>, %arg3: memref<128x128xf32, #tpu.memory_space<vmem>>, %arg4: memref<1000x128xf32, #tpu.memory_space<vmem>>) attributes {dimension_semantics = [#tpu.dimension_semantics<arbitrary>], iteration_bounds = array<i64: 10>, scalar_prefetch = 0 : i64, scratch_operands = 0 : i64, tpu.core_type = #tpu.core_type<tc>, window_params = [{transform_indices = @transform_0, window_bounds = array<i64: 2, 1000, 128>}, {transform_indices = @transform_1, window_bounds = array<i64: 1000, 128>}, {pipeline_mode = #tpu.pipeline_mode<synchronous>, transform_indices = @transform_2, window_bounds = array<i64: 128, 128>}, {transform_indices = @transform_3, window_bounds = array<i64: 1000, 128>}]} {
    %get3A = arith.constant 0 : index
    %get3A_0 = arith.constant 0 : index
    %get3A_1 = arith.constant 0 : index
    %get3A_2 = vector.load %arg1[%get3A, %get3A_0, %get3A_1] : memref<2x1000x128xf32, #tpu.memory_space<vmem>>, vector<1x1000x1xf32>
    %get3A_3 = vector.shape_cast %get3A_2 : vector<1x1000x1xf32> to vector<1000x1xf32>
    %get3A_4 = arith.constant 1 : index
    %get3A_5 = arith.constant 0 : index
    %get3A_6 = arith.constant 0 : index
    %get3A_7 = vector.load %arg1[%get3A_4, %get3A_5, %get3A_6] : memref<2x1000x128xf32, #tpu.memory_space<vmem>>, vector<1x1000x1xf32>
    %get3A_8 = vector.shape_cast %get3A_7 : vector<1x1000x1xf32> to vector<1000x1xf32>
    %add3A = arith.addf %get3A_3, %get3A_8 : vector<1000x1xf32>
    %add3A_9 = arith.constant 1.000000e+00 : f32
    %add3A_10 = vector.broadcast %add3A_9 : f32 to vector<1000x1xf32>
    %add3A_11 = arith.addf %add3A, %add3A_10 : vector<1000x1xf32>
    %rsqrt3A = math.rsqrt %add3A_11 : vector<1000x1xf32>
    %get3A_12 = arith.constant 0 : index
    %get3A_13 = arith.constant 0 : index
    %get3A_14 = vector.load %arg2[%get3A_12, %get3A_13] : memref<1000x128xf32, #tpu.memory_space<vmem>>, vector<1000x128xf32>
    %get3A_15 = arith.constant 0 : index
    %get3A_16 = arith.constant 0 : index
    %get3A_17 = vector.load %arg3[%get3A_15, %get3A_16] : memref<128x128xf32, #tpu.memory_space<vmem>>, vector<128x128xf32>
    %dot_general3A = arith.constant dense<0.000000e+00> : vector<1000x128xf32>
    %dot_general3A_18 = tpu.matmul %get3A_14, %get3A_17, %dot_general3A {dimension_numbers = #tpu.dot_dimension_numbers<[1], [0], [0], [1], [0, 0, 1, 1], [], []>, transpose_lhs_hint = false} : vector<1000x128xf32>, vector<128x128xf32>, vector<1000x128xf32> -> vector<1000x128xf32>
    %mul3A = vector.broadcast %rsqrt3A : vector<1000x1xf32> to vector<1000x128xf32>
    %mul3A_19 = arith.mulf %mul3A, %dot_general3A_18 : vector<1000x128xf32>
    %swap3A = arith.constant 0 : index
    %swap3A_20 = arith.constant 0 : index
    %swap3A_21 = vector.load %arg4[%swap3A, %swap3A_20] : memref<1000x128xf32, #tpu.memory_space<vmem>>, vector<1000x128xf32>
    tpu.vector_store %arg4[%swap3A, %swap3A_20], %mul3A_19 {strides = array<i32>} : memref<1000x128xf32, #tpu.memory_space<vmem>>, vector<1000x128xf32>,
    return
  }
  func.func @transform_0(%arg0: i32) -> (i32, i32, i32) {
    %c0_i32 = arith.constant 0 : i32
    %c0_i32_0 = arith.constant 0 : i32
    %c0_i32_1 = arith.constant 0 : i32
    return %c0_i32, %arg0, %c0_i32_0 : i32, i32, i32
  }
  func.func @transform_1(%arg0: i32) -> (i32, i32) {
    %c0_i32 = arith.constant 0 : i32
    %c0_i32_0 = arith.constant 0 : i32
    return %arg0, %c0_i32 : i32, i32
  }
  func.func @transform_2(%arg0: i32) -> (i32, i32) {
    %c0_i32 = arith.constant 0 : i32
    %c0_i32_0 = arith.constant 0 : i32
    %c0_i32_1 = arith.constant 0 : i32
    return %c0_i32, %c0_i32_0 : i32, i32
  }
  func.func @transform_3(%arg0: i32) -> (i32, i32) {
    %c0_i32 = arith.constant 0 : i32
    %c0_i32_0 = arith.constant 0 : i32
    return %arg0, %c0_i32 : i32, i32
  }
}

module attributes {stable_mosaic.version = 14 : i64} {
  func.func @_t3_body(%arg0: i32, %arg1: memref<2x1000x128xf32, #tpu.memory_space<vmem>>, %arg2: memref<2x1000x128xf32, #tpu.memory_space<vmem>>, %arg3: memref<1000x128xf32, #tpu.memory_space<vmem>>, %arg4: memref<1x128xf32, #tpu.memory_space<vmem>>, %arg5: memref<1000x128xf32, #tpu.memory_space<vmem>>, %arg6: memref<1000x128xf32, #tpu.memory_space<vmem>>, %arg7: memref<384x16xf32, #tpu.memory_space<vmem>>, %arg8: memref<1x16xf32, #tpu.memory_space<vmem>>, %arg9: memref<1000x16xf32, #tpu.memory_space<vmem>>) attributes {dimension_semantics = [#tpu.dimension_semantics<arbitrary>], iteration_bounds = array<i64: 10>, scalar_prefetch = 0 : i64, scratch_operands = 0 : i64, tpu.core_type = #tpu.core_type<tc>, window_params = [{transform_indices = @transform_0, window_bounds = array<i64: 2, 1000, 128>}, {transform_indices = @transform_1, window_bounds = array<i64: 2, 1000, 128>}, {transform_indices = @transform_2, window_bounds = array<i64: 1000, 128>}, {pipeline_mode = #tpu.pipeline_mode<synchronous>, transform_indices = @transform_3, window_bounds = array<i64: 1, 128>}, {transform_indices = @transform_4, window_bounds = array<i64: 1000, 128>}, {transform_indices = @transform_5, window_bounds = array<i64: 1000, 128>}, {pipeline_mode = #tpu.pipeline_mode<synchronous>, transform_indices = @transform_6, window_bounds = array<i64: 384, 16>}, {pipeline_mode = #tpu.pipeline_mode<synchronous>, transform_indices = @transform_7, window_bounds = array<i64: 1, 16>}, {transform_indices = @transform_8, window_bounds = array<i64: 1000, 16>}]} {
    %get3A = arith.constant 0 : index
    %get3A_0 = arith.constant 0 : index
    %get3A_1 = arith.constant 0 : index
    %get3A_2 = vector.load %arg1[%get3A, %get3A_0, %get3A_1] : memref<2x1000x128xf32, #tpu.memory_space<vmem>>, vector<1x1000x1xf32>
    %get3A_3 = vector.shape_cast %get3A_2 : vector<1x1000x1xf32> to vector<1000x1xf32>
    %get3A_4 = arith.constant 1 : index
    %get3A_5 = arith.constant 0 : index
    %get3A_6 = arith.constant 0 : index
    %get3A_7 = vector.load %arg1[%get3A_4, %get3A_5, %get3A_6] : memref<2x1000x128xf32, #tpu.memory_space<vmem>>, vector<1x1000x1xf32>
    %get3A_8 = vector.shape_cast %get3A_7 : vector<1x1000x1xf32> to vector<1000x1xf32>
    %add3A = arith.addf %get3A_3, %get3A_8 : vector<1000x1xf32>
    %add3A_9 = arith.constant 1.000000e+00 : f32
    %add3A_10 = vector.broadcast %add3A_9 : f32 to vector<1000x1xf32>
    %add3A_11 = arith.addf %add3A, %add3A_10 : vector<1000x1xf32>
    %rsqrt3A = math.rsqrt %add3A_11 : vector<1000x1xf32>
    %get3A_12 = arith.constant 0 : index
    %get3A_13 = arith.constant 0 : index
    %get3A_14 = arith.constant 0 : index
    %get3A_15 = vector.load %arg2[%get3A_12, %get3A_13, %get3A_14] : memref<2x1000x128xf32, #tpu.memory_space<vmem>>, vector<1x1000x128xf32>
    %get3A_16 = vector.shape_cast %get3A_15 : vector<1x1000x128xf32> to vector<1000x128xf32>
    %get3A_17 = arith.constant 1 : index
    %get3A_18 = arith.constant 0 : index
    %get3A_19 = arith.constant 0 : index
    %get3A_20 = vector.load %arg2[%get3A_17, %get3A_18, %get3A_19] : memref<2x1000x128xf32, #tpu.memory_space<vmem>>, vector<1x1000x128xf32>
    %get3A_21 = vector.shape_cast %get3A_20 : vector<1x1000x128xf32> to vector<1000x128xf32>
    %add3A_22 = arith.addf %get3A_16, %get3A_21 : vector<1000x128xf32>
    %get3A_23 = arith.constant 0 : index
    %get3A_24 = arith.constant 0 : index
    %get3A_25 = vector.load %arg3[%get3A_23, %get3A_24] : memref<1000x128xf32, #tpu.memory_space<vmem>>, vector<1000x128xf32>
    %add3A_26 = arith.addf %add3A_22, %get3A_25 : vector<1000x128xf32>
    %mul3A = vector.broadcast %rsqrt3A : vector<1000x1xf32> to vector<1000x128xf32>
    %mul3A_27 = arith.mulf %mul3A, %add3A_26 : vector<1000x128xf32>
    %get3A_28 = arith.constant 0 : index
    %get3A_29 = arith.constant 0 : index
    %get3A_30 = vector.load %arg4[%get3A_28, %get3A_29] : memref<1x128xf32, #tpu.memory_space<vmem>>, vector<1x128xf32>
    %add3A_31 = vector.broadcast %get3A_30 : vector<1x128xf32> to vector<1000x128xf32>
    %add3A_32 = arith.addf %mul3A_27, %add3A_31 : vector<1000x128xf32>
    %get3A_33 = arith.constant 0 : index
    %get3A_34 = arith.constant 0 : index
    %get3A_35 = vector.load %arg7[%get3A_33, %get3A_34] : memref<384x16xf32, #tpu.memory_space<vmem>>, vector<384x16xf32>
    %get3A_36 = arith.constant 0 : index
    %get3A_37 = arith.constant 0 : index
    %get3A_38 = vector.load %arg5[%get3A_36, %get3A_37] : memref<1000x128xf32, #tpu.memory_space<vmem>>, vector<1000x128xf32>
    %slice3A = vector.extract_strided_slice %get3A_35 {offsets = [0, 0], sizes = [128, 16], strides = [1, 1]} : vector<384x16xf32> to vector<128x16xf32>
    %dot_general3A = arith.constant dense<0.000000e+00> : vector<1000x16xf32>
    %dot_general3A_39 = tpu.matmul %get3A_38, %slice3A, %dot_general3A {dimension_numbers = #tpu.dot_dimension_numbers<[1], [0], [0], [1], [0, 0, 1, 1], [], []>, transpose_lhs_hint = false} : vector<1000x128xf32>, vector<128x16xf32>, vector<1000x16xf32> -> vector<1000x16xf32>
    %get3A_40 = arith.constant 0 : index
    %get3A_41 = arith.constant 0 : index
    %get3A_42 = vector.load %arg6[%get3A_40, %get3A_41] : memref<1000x128xf32, #tpu.memory_space<vmem>>, vector<1000x128xf32>
    %slice3A_43 = vector.extract_strided_slice %get3A_35 {offsets = [128, 0], sizes = [128, 16], strides = [1, 1]} : vector<384x16xf32> to vector<128x16xf32>
    %dot_general3A_44 = arith.constant dense<0.000000e+00> : vector<1000x16xf32>
    %dot_general3A_45 = tpu.matmul %get3A_42, %slice3A_43, %dot_general3A_44 {dimension_numbers = #tpu.dot_dimension_numbers<[1], [0], [0], [1], [0, 0, 1, 1], [], []>, transpose_lhs_hint = false} : vector<1000x128xf32>, vector<128x16xf32>, vector<1000x16xf32> -> vector<1000x16xf32>
    %add3A_46 = arith.addf %dot_general3A_39, %dot_general3A_45 : vector<1000x16xf32>
    %slice3A_47 = vector.extract_strided_slice %get3A_35 {offsets = [256, 0], sizes = [128, 16], strides = [1, 1]} : vector<384x16xf32> to vector<128x16xf32>
    %dot_general3A_48 = arith.constant dense<0.000000e+00> : vector<1000x16xf32>
    %dot_general3A_49 = tpu.matmul %add3A_32, %slice3A_47, %dot_general3A_48 {dimension_numbers = #tpu.dot_dimension_numbers<[1], [0], [0], [1], [0, 0, 1, 1], [], []>, transpose_lhs_hint = false} : vector<1000x128xf32>, vector<128x16xf32>, vector<1000x16xf32> -> vector<1000x16xf32>
    %add3A_50 = arith.addf %add3A_46, %dot_general3A_49 : vector<1000x16xf32>
    %get3A_51 = arith.constant 0 : index
    %get3A_52 = arith.constant 0 : index
    %get3A_53 = vector.load %arg8[%get3A_51, %get3A_52] : memref<1x16xf32, #tpu.memory_space<vmem>>, vector<1x16xf32>
    %add3A_54 = vector.broadcast %get3A_53 : vector<1x16xf32> to vector<1000x16xf32>
    %add3A_55 = arith.addf %add3A_50, %add3A_54 : vector<1000x16xf32>
    %swap3A = arith.constant 0 : index
    %swap3A_56 = arith.constant 0 : index
    %swap3A_57 = vector.load %arg9[%swap3A, %swap3A_56] : memref<1000x16xf32, #tpu.memory_space<vmem>>, vector<1000x16xf32>
    tpu.vector_store %arg9[%swap3A, %swap3A_56], %add3A_55 {strides = array<i32>} : memref<1000x16xf32, #tpu.memory_space<vmem>>, vector<1000x16xf32>,
    return
  }
  func.func @transform_0(%arg0: i32) -> (i32, i32, i32) {
    %c0_i32 = arith.constant 0 : i32
    %c0_i32_0 = arith.constant 0 : i32
    %c0_i32_1 = arith.constant 0 : i32
    return %c0_i32, %arg0, %c0_i32_0 : i32, i32, i32
  }
  func.func @transform_1(%arg0: i32) -> (i32, i32, i32) {
    %c0_i32 = arith.constant 0 : i32
    %c0_i32_0 = arith.constant 0 : i32
    %c0_i32_1 = arith.constant 0 : i32
    return %c0_i32, %arg0, %c0_i32_0 : i32, i32, i32
  }
  func.func @transform_2(%arg0: i32) -> (i32, i32) {
    %c0_i32 = arith.constant 0 : i32
    %c0_i32_0 = arith.constant 0 : i32
    return %arg0, %c0_i32 : i32, i32
  }
  func.func @transform_3(%arg0: i32) -> (i32, i32) {
    %c0_i32 = arith.constant 0 : i32
    %c0_i32_0 = arith.constant 0 : i32
    %c0_i32_1 = arith.constant 0 : i32
    return %c0_i32, %c0_i32_0 : i32, i32
  }
  func.func @transform_4(%arg0: i32) -> (i32, i32) {
    %c0_i32 = arith.constant 0 : i32
    %c0_i32_0 = arith.constant 0 : i32
    return %arg0, %c0_i32 : i32, i32
  }
  func.func @transform_5(%arg0: i32) -> (i32, i32) {
    %c0_i32 = arith.constant 0 : i32
    %c0_i32_0 = arith.constant 0 : i32
    return %arg0, %c0_i32 : i32, i32
  }
  func.func @transform_6(%arg0: i32) -> (i32, i32) {
    %c0_i32 = arith.constant 0 : i32
    %c0_i32_0 = arith.constant 0 : i32
    %c0_i32_1 = arith.constant 0 : i32
    return %c0_i32, %c0_i32_0 : i32, i32
  }
  func.func @transform_7(%arg0: i32) -> (i32, i32) {
    %c0_i32 = arith.constant 0 : i32
    %c0_i32_0 = arith.constant 0 : i32
    %c0_i32_1 = arith.constant 0 : i32
    return %c0_i32, %c0_i32_0 : i32, i32
  }
  func.func @transform_8(%arg0: i32) -> (i32, i32) {
    %c0_i32 = arith.constant 0 : i32
    %c0_i32_0 = arith.constant 0 : i32
    return %arg0, %c0_i32 : i32, i32
  }
}

module attributes {stable_mosaic.version = 14 : i64} {
  func.func @_t2_body(%arg0: i32, %arg1: memref<2x1000x128xf32, #tpu.memory_space<vmem>>, %arg2: memref<2x1000x128xf32, #tpu.memory_space<vmem>>, %arg3: memref<1000x128xf32, #tpu.memory_space<vmem>>, %arg4: memref<1x128xf32, #tpu.memory_space<vmem>>, %arg5: memref<128x128xf32, #tpu.memory_space<vmem>>, %arg6: memref<1000x128xf32, #tpu.memory_space<vmem>>, %arg7: memref<1000x128xf32, #tpu.memory_space<vmem>>) attributes {dimension_semantics = [#tpu.dimension_semantics<arbitrary>], iteration_bounds = array<i64: 10>, scalar_prefetch = 0 : i64, scratch_operands = 0 : i64, tpu.core_type = #tpu.core_type<tc>, window_params = [{transform_indices = @transform_0, window_bounds = array<i64: 2, 1000, 128>}, {transform_indices = @transform_1, window_bounds = array<i64: 2, 1000, 128>}, {transform_indices = @transform_2, window_bounds = array<i64: 1000, 128>}, {pipeline_mode = #tpu.pipeline_mode<synchronous>, transform_indices = @transform_3, window_bounds = array<i64: 1, 128>}, {pipeline_mode = #tpu.pipeline_mode<synchronous>, transform_indices = @transform_4, window_bounds = array<i64: 128, 128>}, {transform_indices = @transform_5, window_bounds = array<i64: 1000, 128>}, {transform_indices = @transform_6, window_bounds = array<i64: 1000, 128>}]} {
    %get3A = arith.constant 0 : index
    %get3A_0 = arith.constant 0 : index
    %get3A_1 = arith.constant 0 : index
    %get3A_2 = vector.load %arg1[%get3A, %get3A_0, %get3A_1] : memref<2x1000x128xf32, #tpu.memory_space<vmem>>, vector<1x1000x1xf32>
    %get3A_3 = vector.shape_cast %get3A_2 : vector<1x1000x1xf32> to vector<1000x1xf32>
    %get3A_4 = arith.constant 1 : index
    %get3A_5 = arith.constant 0 : index
    %get3A_6 = arith.constant 0 : index
    %get3A_7 = vector.load %arg1[%get3A_4, %get3A_5, %get3A_6] : memref<2x1000x128xf32, #tpu.memory_space<vmem>>, vector<1x1000x1xf32>
    %get3A_8 = vector.shape_cast %get3A_7 : vector<1x1000x1xf32> to vector<1000x1xf32>
    %add3A = arith.addf %get3A_3, %get3A_8 : vector<1000x1xf32>
    %add3A_9 = arith.constant 1.000000e+00 : f32
    %add3A_10 = vector.broadcast %add3A_9 : f32 to vector<1000x1xf32>
    %add3A_11 = arith.addf %add3A, %add3A_10 : vector<1000x1xf32>
    %rsqrt3A = math.rsqrt %add3A_11 : vector<1000x1xf32>
    %get3A_12 = arith.constant 0 : index
    %get3A_13 = arith.constant 0 : index
    %get3A_14 = arith.constant 0 : index
    %get3A_15 = vector.load %arg2[%get3A_12, %get3A_13, %get3A_14] : memref<2x1000x128xf32, #tpu.memory_space<vmem>>, vector<1x1000x128xf32>
    %get3A_16 = vector.shape_cast %get3A_15 : vector<1x1000x128xf32> to vector<1000x128xf32>
    %get3A_17 = arith.constant 1 : index
    %get3A_18 = arith.constant 0 : index
    %get3A_19 = arith.constant 0 : index
    %get3A_20 = vector.load %arg2[%get3A_17, %get3A_18, %get3A_19] : memref<2x1000x128xf32, #tpu.memory_space<vmem>>, vector<1x1000x128xf32>
    %get3A_21 = vector.shape_cast %get3A_20 : vector<1x1000x128xf32> to vector<1000x128xf32>
    %add3A_22 = arith.addf %get3A_16, %get3A_21 : vector<1000x128xf32>
    %get3A_23 = arith.constant 0 : index
    %get3A_24 = arith.constant 0 : index
    %get3A_25 = vector.load %arg3[%get3A_23, %get3A_24] : memref<1000x128xf32, #tpu.memory_space<vmem>>, vector<1000x128xf32>
    %add3A_26 = arith.addf %add3A_22, %get3A_25 : vector<1000x128xf32>
    %mul3A = vector.broadcast %rsqrt3A : vector<1000x1xf32> to vector<1000x128xf32>
    %mul3A_27 = arith.mulf %mul3A, %add3A_26 : vector<1000x128xf32>
    %get3A_28 = arith.constant 0 : index
    %get3A_29 = arith.constant 0 : index
    %get3A_30 = vector.load %arg4[%get3A_28, %get3A_29] : memref<1x128xf32, #tpu.memory_space<vmem>>, vector<1x128xf32>
    %add3A_31 = vector.broadcast %get3A_30 : vector<1x128xf32> to vector<1000x128xf32>
    %add3A_32 = arith.addf %mul3A_27, %add3A_31 : vector<1000x128xf32>
    %max3A = arith.constant 0.000000e+00 : f32
    %max3A_33 = vector.broadcast %max3A : f32 to vector<1000x128xf32>
    %max3A_34 = arith.maximumf %add3A_32, %max3A_33 : vector<1000x128xf32>
    %swap3A = arith.constant 0 : index
    %swap3A_35 = arith.constant 0 : index
    %swap3A_36 = vector.load %arg6[%swap3A, %swap3A_35] : memref<1000x128xf32, #tpu.memory_space<vmem>>, vector<1000x128xf32>
    tpu.vector_store %arg6[%swap3A, %swap3A_35], %max3A_34 {strides = array<i32>} : memref<1000x128xf32, #tpu.memory_space<vmem>>, vector<1000x128xf32>,
    %get3A_37 = arith.constant 0 : index
    %get3A_38 = arith.constant 0 : index
    %get3A_39 = vector.load %arg5[%get3A_37, %get3A_38] : memref<128x128xf32, #tpu.memory_space<vmem>>, vector<128x128xf32>
    %dot_general3A = arith.constant dense<0.000000e+00> : vector<1000x128xf32>
    %dot_general3A_40 = tpu.matmul %max3A_34, %get3A_39, %dot_general3A {dimension_numbers = #tpu.dot_dimension_numbers<[1], [0], [0], [1], [0, 0, 1, 1], [], []>, transpose_lhs_hint = false} : vector<1000x128xf32>, vector<128x128xf32>, vector<1000x128xf32> -> vector<1000x128xf32>
    %mul3A_41 = vector.broadcast %rsqrt3A : vector<1000x1xf32> to vector<1000x128xf32>
    %mul3A_42 = arith.mulf %mul3A_41, %dot_general3A_40 : vector<1000x128xf32>
    %swap3A_43 = arith.constant 0 : index
    %swap3A_44 = arith.constant 0 : index
    %swap3A_45 = vector.load %arg7[%swap3A_43, %swap3A_44] : memref<1000x128xf32, #tpu.memory_space<vmem>>, vector<1000x128xf32>
    tpu.vector_store %arg7[%swap3A_43, %swap3A_44], %mul3A_42 {strides = array<i32>} : memref<1000x128xf32, #tpu.memory_space<vmem>>, vector<1000x128xf32>,
    return
  }
  func.func @transform_0(%arg0: i32) -> (i32, i32, i32) {
    %c0_i32 = arith.constant 0 : i32
    %c0_i32_0 = arith.constant 0 : i32
    %c0_i32_1 = arith.constant 0 : i32
    return %c0_i32, %arg0, %c0_i32_0 : i32, i32, i32
  }
  func.func @transform_1(%arg0: i32) -> (i32, i32, i32) {
    %c0_i32 = arith.constant 0 : i32
    %c0_i32_0 = arith.constant 0 : i32
    %c0_i32_1 = arith.constant 0 : i32
    return %c0_i32, %arg0, %c0_i32_0 : i32, i32, i32
  }
  func.func @transform_2(%arg0: i32) -> (i32, i32) {
    %c0_i32 = arith.constant 0 : i32
    %c0_i32_0 = arith.constant 0 : i32
    return %arg0, %c0_i32 : i32, i32
  }
  func.func @transform_3(%arg0: i32) -> (i32, i32) {
    %c0_i32 = arith.constant 0 : i32
    %c0_i32_0 = arith.constant 0 : i32
    %c0_i32_1 = arith.constant 0 : i32
    return %c0_i32, %c0_i32_0 : i32, i32
  }
  func.func @transform_4(%arg0: i32) -> (i32, i32) {
    %c0_i32 = arith.constant 0 : i32
    %c0_i32_0 = arith.constant 0 : i32
    %c0_i32_1 = arith.constant 0 : i32
    return %c0_i32, %c0_i32_0 : i32, i32
  }
  func.func @transform_5(%arg0: i32) -> (i32, i32) {
    %c0_i32 = arith.constant 0 : i32
    %c0_i32_0 = arith.constant 0 : i32
    return %arg0, %c0_i32 : i32, i32
  }
  func.func @transform_6(%arg0: i32) -> (i32, i32) {
    %c0_i32 = arith.constant 0 : i32
    %c0_i32_0 = arith.constant 0 : i32
    return %arg0, %c0_i32 : i32, i32
  }
}

</mosaic_0001>

<sc_bundles>
// kernel: kernel.10.cloned.1.call-start
scs
__scs_entry_jumppad:
0x0: {  	(pc) =	sbr.rel $0x88, $3  }
0x1: {  	(tag) =	ssettag $0x0;
	lr =	simm.s32 $0x1  }
0x2: {  	[smem:$0x3F97] =	sst lr;
	_ =	strace $0xD0000000  }
0x3: {  	_ = 	snop  }
0x4: {  	_ = 	snop  }
0x5: {  	_ = 	snop  }
0x6: {  	_ = 	snop  }
0x7: {  	_ = 	snop  }
__scs_overlays_trampoline_lowered:
0x8: {  	[smem:$0x3FA6] =	sst s0  }
0x9: {  	[smem:$0x3FA7] =	sst s1  }
0xa: {  	[smem:$0x3FA8] =	sst s2  }
0xb: {  	[smem:$0x3FA9] =	sst s3  }
0xc: {  	[smem:$0x3FAA] =	sst s4  }
0xd: {  	[smem:$0x3FAB] =	sst s5  }
0xe: {  	[smem:$0x3FAC] =	sst s6  }
0xf: {  	[smem:$0x3FAD] =	sst s7  }
0x10: {  	[smem:$0x3FAE] =	sst s8  }
0x11: {  	[smem:$0x3FAF] =	sst s9;
	s0 =	simm.s32 @!p0 $0x0  }
0x12: {  	s1 =	sld [smem:$0x3F95];
	s0 =	simm.s32 @p0 $0x1  }
0x13: {  	[smem:$0x3FB0] =	sst s0;
	s0 =	simm.s32 @!p1 $0x0  }
0x14: {  	s2 =	sld [smem:$0x3F94];
	s0 =	simm.s32 @p1 $0x1  }
0x15: {  	[smem:$0x3FB1] =	sst s0;
	s0 =	simm.s32 @!p2 $0x0  }
0x16: {  	s3 =	sld [smem:$0x3FDB];
	s0 =	simm.s32 @p2 $0x1  }
0x17: {  	s4 =	simm.s32 $0x1BF5;
	[smem:$0x3FB3] =	sst s0  }
0x18: {  	s0 =	sld [smem:$0x3F96];
	_ =	swait.ge [sflag:s4], $0x0  }
0x19: {  	s7 =	sld [smem:$0x3F97]  }
0x1a: {  	s8 =	sadd.s32 $0xFFFFE003, lr  }
0x1b: {  	s9 =	sadd.s32 $0xFFFFFEF7, lr;
	s5 =	simm.s32 $0xFFFFFFFF;
	p2 =	slt.u32 s8, $0xFFFFF086  }
0x1c: {  	p1 =	slt.u32 s9, $0xF7A;
	s5 =	simm.s32 @!p2 $0x0  }
0x1d: {  	s5 =	simm.s32 @p1 $0x1;
	p0 =	seq.s32 s7, s2  }
0x1e: {  	s7 =	smul.u32 @!p0 $0xF7A, s2;
	p2 =	seq.s32 @!p0 s5, $0x0  }
0x1f: {  	s9 =	smul.u32 $0xF7A, s1;
	s8 =	simm.s32 @!p0 $0x1BF5;
	p2 =	por !p2, p0  }
0x20: {  	[sflag:s8] =	ssyncset.s32 @!p0 $0xFFFFF086;
	s6 =	sadd.s32 @!p0 s3, s7;
	s7 =	simm.s32 @!p0 $0x108  }
0x21: {  	s3 =	sadd.s32 s3, s9;
	s6 =	sadd.s32 @!p0 $0x88, s6;
	s7 =	simm.s32 @p2 $0x1082  }
0x22: {  	[simem:s7], [sflag:s8] =	dma.local @!p0 [hbm:s6], $0xF7A  }
0x23: {  	s9 =	sor.u32 $0xD0000000, s2;
	s6 =	simm.s32 $0x108;
	_ =	swait.ge @!p0 [sflag:s8], $0x0  }
0x24: {  	s3 =	sadd.s32 $0x88, s3;
	s6 =	simm.s32 @!p1 $0x1082;
	[sflag:s4] =	ssyncset.s32 $0xFFFFF086  }
0x25: {  	[simem:s6], [sflag:s4] =	dma.local [hbm:s3], $0xF7A  }
0x26: {  	[smem:$0x3F97] =	sst s1;
	(tag) =	ssettag s2;
	_ =	strace s9  }
0x27: {  	s1 =	sld [smem:$0x3FA7]  }
0x28: {  	s2 =	sld [smem:$0x3FA8]  }
0x29: {  	s4 =	sld [smem:$0x3FAA]  }
0x2a: {  	p0 =	seq.s32 s5, $0x0;
	s5 =	sld [smem:$0x3FAB]  }
0x2b: {  	s6 =	sld [smem:$0x3FAC]  }
0x2c: {  	s7 =	sld [smem:$0x3FAD]  }
0x2d: {  	s3 =	simm.s32 $0x108;
	s8 =	sld [smem:$0x3FAE]  }
0x2e: {  	s3 =	simm.s32 @!p0 $0x1082;
	s9 =	sld [smem:$0x3FAF]  }
0x2f: {  	lr =	sadd.s32 s0, s3;
	s0 =	sld [smem:$0x3FA6]  }
0x30: {  	s3 =	sld [smem:$0x3FA9]  }
0x31: {  	[smem:$0x3FB2] =	sst s10  }
0x32: {  	s10 =	sld [smem:$0x3FB0];
	_ =	sdelay $0x3  }
0x33: {  	p0 =	seq.s32 s10, $0x1;
	s10 =	sld [smem:$0x3FB2];
	_ =	sdelay $0x3  }
0x34: {  	[smem:$0x3FB2] =	sst s10  }
0x35: {  	s10 =	sld [smem:$0x3FB1];
	_ =	sdelay $0x3  }
0x36: {  	p1 =	seq.s32 s10, $0x1;
	s10 =	sld [smem:$0x3FB2];
	_ =	sdelay $0x3  }
0x37: {  	[smem:$0x3FB2] =	sst s10  }
0x38: {  	s10 =	sld [smem:$0x3FB3]  }
0x39: {  	_ = 	snop;
	(pc) =	sbr.ind lr, $3  }
0x3a: {  	_ = 	snop  }
0x3b: {  	_ = 	snop  }
0x3c: {  	p2 =	seq.s32 s10, $0x1;
	s10 =	sld [smem:$0x3FB2]  }
0x3d: {  	_ =	shalt  }
0x3e: {  	_ =	shalt  }
0x3f: {  	_ =	shalt  }
0x40: {  	_ =	shalt  }
0x41: {  	_ =	shalt  }
0x42: {  	_ =	shalt  }
0x43: {  	_ =	shalt  }
0x44: {  	_ =	shalt  }
0x45: {  	_ =	shalt  }
0x46: {  	_ =	shalt  }
0x47: {  	_ =	shalt  }
0x48: {  	_ =	shalt  }
0x49: {  	_ =	shalt  }
0x4a: {  	_ =	shalt  }
0x4b: {  	_ =	shalt  }
0x4c: {  	_ =	shalt  }
0x4d: {  	_ =	shalt  }
0x4e: {  	_ =	shalt  }
0x4f: {  	_ =	shalt  }
0x50: {  	_ =	shalt  }
0x51: {  	_ =	shalt  }
0x52: {  	_ =	shalt  }
0x53: {  	_ =	shalt  }
0x54: {  	_ =	shalt  }
0x55: {  	_ =	shalt  }
0x56: {  	_ =	shalt  }
0x57: {  	_ =	shalt  }
0x58: {  	_ =	shalt  }
0x59: {  	_ =	shalt  }
0x5a: {  	_ =	shalt  }
0x5b: {  	_ =	shalt  }
0x5c: {  	_ =	shalt  }
0x5d: {  	_ =	shalt  }
0x5e: {  	_ =	shalt  }
0x5f: {  	_ =	shalt  }
0x60: {  	_ =	shalt  }
0x61: {  	_ =	shalt  }
0x62: {  	_ =	shalt  }
0x63: {  	_ =	shalt  }
0x64: {  	_ =	shalt  }
0x65: {  	_ =	shalt  }
0x66: {  	_ =	shalt  }
0x67: {  	_ =	shalt  }
0x68: {  	_ =	shalt  }
0x69: {  	_ =	shalt  }
0x6a: {  	_ =	shalt  }
0x6b: {  	_ =	shalt  }
0x6c: {  	_ =	shalt  }
0x6d: {  	_ =	shalt  }
0x6e: {  	_ =	shalt  }
0x6f: {  	_ =	shalt  }
0x70: {  	_ =	shalt  }
0x71: {  	_ =	shalt  }
0x72: {  	_ =	shalt  }
0x73: {  	_ =	shalt  }
0x74: {  	_ =	shalt  }
0x75: {  	_ =	shalt  }
0x76: {  	_ =	shalt  }
0x77: {  	_ =	shalt  }
0x78: {  	_ =	shalt  }
0x79: {  	_ =	shalt  }
0x7a: {  	_ =	shalt  }
0x7b: {  	_ =	shalt  }
0x7c: {  	_ =	shalt  }
0x7d: {  	_ =	shalt  }
0x7e: {  	_ =	shalt  }
0x7f: {  	_ =	shalt  }
0x80: {  	_ =	shalt  }
0x81: {  	_ =	shalt  }
0x82: {  	_ =	shalt  }
0x83: {  	_ =	shalt  }
0x84: {  	_ =	shalt  }
0x85: {  	_ =	shalt  }
0x86: {  	_ =	shalt  }
0x87: {  	_ =	shalt  }
.Lfunc_end0:
.L_simem_size_0:
called_computation_lowered:
.L_overlay_start_0:
0x88: {  	s2 =	sld [smem:$0x3FD9]  }
0x89: {  	s3 =	sld [smem:$0x3FFE];
	_ =	sdelay $0x1  }
0x8a: {  	s1 =	srdreg.scid  }
0x8b: {  	s0 =	sand.u32 $0x1, s1  }
0x8c: {  	s17 =	sshll.u32 s0, $0xA;
	s2 =	sadd.s32 s3, s2  }
0x8d: {  	s2 =	sadd.s32 s2, s17  }
0x8e: {  	[smem:$0x3FBE] =	sst s2  }
0x8f: {  	_ = 	snop  }
0x90: {  	s2 =	sld [smem:$0x3FD0];
	(tm) =	ssettm $0x1  }
0x91: {  	s18 =	sld [smem:$0x3FFB];
	_ =	sdelay $0x3  }
0x92: {  	_ =	strace s18  }
0x93: {  	s3 =	sld [smem:$0x3FFC];
	_ =	sdelay $0x3  }
0x94: {  	_ =	strace s3  }
0x95: {  	s3 =	sld [smem:$0x3FFD];
	_ =	sdelay $0x3  }
0x96: {  	_ =	strace s3  }
0x97: {  	_ =	strace $0x8FFFFFFF  }
0x98: {  	s19 =	sld [smem:$0x3FDB];
	_ =	sdelay $0x1  }
0x99: {  	s4 =	simm.s32 $_scs_section_size  }
0x9a: {  	s5 =	simm.s32 $_size__tile_overlayer_lowered;
	s6 =	simm.s32 $_tile_overlayer_lowered  }
0x9b: {  	s22 =	simm.s32 $0x1BFF;
	s21 =	sshll.u32 s6, $0x1;
	s3 =	sadd.s32 s4, s19  }
0x9c: {  	s7 =	simm.s32 $0x0;
	s20 =	sshll.u32 s5, $0x1;
	s5 =	sadd.s32 s21, s3  }
0x9d: {  	[timem:s7], [sflag:s22] =	dma.local [hbm:s5], s20  }
0x9e: {  	_ =	swait.ge [sflag:s22], s20  }
0x9f: {  	s4 =	ssub.s32 $0x0, s20;
	[sflag:s22] =	ssyncset.done $0x0  }
0xa0: {  	[sflag:s22] =	ssyncadd.s32 s4;
	_ =	sdelay $0x1  }
0xa1: {  	s23 =	simm.s32 $0x1B8B  }
0xa2: {  	_ =	swait.ge [sflag:s23], $0x1  }
0xa3: {  	[sflag:s23] =	ssyncset.done $0x0  }
0xa4: {  	s25 =	simm.s32 $0x1B8E;
	s24 =	sld [smem:$0x3FFE];
	[sflag:s23] =	ssyncadd.s32 $0xFFFFFFFF  }
0xa5: {  	s26 =	simm.s32 $execute0_lowered;
	[smem:$0x3FD2] =	sst s25  }
0xa6: {  	s5 =	sshll.u32 s26, $0x1;
	_ =	strace $0x80000046;
	[dreg:$0x1] =	wrdreg $0xFFFFFFFF  }
0xa7: {  	s28 =	simm.s32 $_size_execute0_lowered;
	s3 =	sadd.s32 s3, s5;
	[dreg:$0x0] =	wrdreg $0x0  }
0xa8: {  	s5 =	sshll.u32 s28, $0x1;
	[dreg:$0x2] =	wrdreg s3  }
0xa9: {  	[dreg:$0x3] =	wrdreg s5  }
0xaa: {  	[dreg:$0x4] =	wrdreg $0xC0  }
0xab: {  	_ =	task [dreg:s7], $0x5FFFF  }
0xac: {  	[dreg:$0x1] =	wrdreg $0xFFFFFFFF  }
0xad: {  	[dreg:$0x0] =	wrdreg $0x60  }
0xae: {  	[dreg:$0x2] =	wrdreg s24  }
0xaf: {  	[dreg:$0x3] =	wrdreg s2  }
0xb0: {  	[dreg:$0x4] =	wrdreg $0x68000  }
0xb1: {  	[dreg:$0x5] =	wrdreg $0x9  }
0xb2: {  	_ =	task.clear_ibuf [dreg:s7], $0x6FFFF;
	_ =	strace $0x90000046  }
0xb3: {  	s29 =	simm.s32 $0x9;
	_ =	strace $0x80000048  }
0xb4: {  	_ =	swait.ge [sflag:s29], $0x1  }
0xb5: {  	[sflag:s29] =	ssyncadd.s32 $0xFFFFFFFF  }
0xb6: {  	_ =	strace $0x90000048  }
0xb7: {  	_ =	sfence  }
0xb8: {  	s30 =	sld [smem:$0x0];
	_ =	sdelay $0x2  }
0xb9: {  	s31 =	sshll.u32 s1, $0xD;
	s1 =	sshrl.u32 s1, $0x2  }
0xba: {  	s3 =	sand.u32 $0x4000, s31;
	s1 =	sadd.s32 s1, s30  }
0xbb: {  	s0 =	sor.u32 s3, s0;
	s1 =	sshll.u32 s1, $0x11  }
0xbc: {  	s0 =	sor.u32 s1, s0  }
0xbd: {  	s0 =	sadd.s32 $0x8F2B, s0  }
0xbe: {  	[sflag:s0] =	ssyncadd.remote.s32 $0x1  }
0xbf: {  	_ =	sfence.sel $0xFFFF  }
0xc0: {  	[dreg:$0x0] =	wrdreg $0xFFFFFFFF;
	(pc) =	sbr.abs _section_cstart, $3  }
0xc1: {  	[dreg:$0x1] =	wrdreg $0xFFFFFFFF  }
0xc2: {  	_ =	task.clear_ibuf [dreg:s7], $0x2FFFF;
	_ =	strace $0x9FFFFFFF  }
0xc3: {  	(tm) =	ssettm $0x7FFFFFFF  }
tec
execute0_lowered:
.L_overlay_start_1:
0x0: {  	(tag) =	ssettag $0x1  }
0x1: {  	s6 =	rddreg [dreg:$0x0]  }
0x2: {  	s0 =	srdreg.scid;
	s2 =	rddreg [dreg:$0x1]  }
0x3: {  	s3 =	rddreg [dreg:$0x2];
	s7 =	sand.u32 $0x1, s0  }
0x4: {  	s0 =	stileid.u32;
	s5 =	smul.u32 $0x28000, s7  }
0x5: {  	s1 =	rddreg [dreg:$0x3];
	s4 =	simm.s32 $0x0;
	s8 =	smul.u32 $0x2800, s0  }
0x6: {  	s13 =	simm.s32 $0x80;
	[smem:$0x7FF] =	sst s4;
	s9 =	smul.u32 $0x13C000, s7  }
0x7: {  	s14 =	simm.s32 $0x0;
	s28 =	smul.u32 $0x13C00, s0;
	_ =	strace $0x80000047  }
0x8: {  	s29 =	smul.u32 $0x4F000, s0;
	s7 =	ssub.s32 $0x2, s7;
	s31 =	sshll.u32 s0, $0x6  }
0x9: {  	s30 =	sshrl.u32 s7, $0x1;
	s5 =	sadd.s32 s8, s5;
	s8 =	sadd.s32 s28, s9  }
0xa: {  	s9 =	sshrl.u32 s29, $0x2;
	s11 =	ssub.s32 s7, s30;
	s5 =	sshrl.u32 s5, $0x3  }
0xb: {  	s8 =	sshrl.u32 s8, $0x3;
	s12 =	sadd.s32 s9, s3;
	s9 =	simm.s32 $0x1  }
0xc: {  	s10 =	sadd.s32 s5, s6;
	s5 =	sadd.s32 $0xDE00, s6;
	s8 =	sadd.s32 s8, s6  }
0xd: {  	s12 =	sshrl.u32 s12, $0x3;
	s6 =	sadd.s32 $0x3E00, s10;
	s7 =	sadd.s32 $0xE600, s8  }
0xe: {  	s8 =	smax.u32 s11, $0x1;
	s10 =	simm.s32 $0x2800;
	s11 =	sor.u32 $0x1C01, s31  }
.LBB2_1:
0xf: {  	[tilespmem:s4], [sflag:$0x1] =	stream.linear.gather [hbm4b:s6+s4], $0x2780, $0x38;
	[tilespmem:$0x1A400] =	vst v63  }
0x10: {  	_ =	swait.ge [sflag:s9], $0x2780  }
0x11: {  	[sflag:s9] =	ssyncset.done $0x0  }
0x12: {  	[sflag:s9] =	ssyncadd.s32 $0xFFFFD880  }
0x13: {  	[tilespmem:s10], [sflag:$0x1] =	stream.linear.gather [hbm4b:s5+s4], $0x4000, $0x38;
	[tilespmem:$0x1A400] =	vst v63  }
0x14: {  	_ =	swait.ge [sflag:s9], $0x4000  }
0x15: {  	[sflag:s9] =	ssyncset.done $0x0  }
0x16: {  	[sflag:s9] =	ssyncadd.s32 $0xFFFFC000  }
0x17: {  	[spmem:s12], [sflag:s11] =	dma.local [hbm:s2], $0x2780  }
0x18: {  	_ =	swait.ge [sflag:s9], $0x2780  }
0x19: {  	[sflag:s9] =	ssyncset.done $0x0  }
0x1a: {  	[sflag:s9] =	ssyncadd.s32 $0xFFFFD880  }
0x1b: {  	s15 =	simm.s32 $0x0;
	[bflag:$0x0] =	sbarrier.arrive $0xFFFF  }
0x1c: {  	[spmem:s3] =	stream.indirect.scatter.add.f32 [tilespmem:s10], [sflag:$0x1], $0x80, s15, s13, $0xb8;
	[tilespmem:$0x1A400] =	vst v63  }
0x1d: {  	_ =	swait.ge [sflag:s9], $0x4000  }
0x1e: {  	s15 =	simm.s32 $0x200;
	[sflag:s9] =	ssyncset.done $0x0  }
.LBB2_2:
0x1f: {  	s16 =	sshra.s32 s15, $0x2;
	[sflag:s9] =	ssyncadd.s32 $0xFFFFC000;
	p0 =	sne.s32 s15, $0x9C00  }
0x20: {  	[spmem:s3] =	stream.indirect.scatter.add.f32 [tilespmem:s10], [sflag:$0x1], $0x80, s16, s13, $0xb8;
	[tilespmem:$0x1A400] =	vst v63  }
.Ltmp0:
0x21: {  	_ = 	snop;
	(pc) =	sbr.rel @p0 .LBB2_2-.Ltmp0, $4  }
0x22: {  	_ = 	snop  }
0x23: {  	s15 =	sadd.s32 $0x200, s15  }
0x24: {  	_ =	swait.ge [sflag:s9], $0x4000  }
0x25: {  	[sflag:s9] =	ssyncset.done $0x0  }
0x26: {  	s14 =	sadd.s32 $0x1, s14  }
0x27: {  	[sflag:s9] =	ssyncadd.s32 $0xFFFFC000;
	p0 =	sne.s32 s14, s8  }
.Ltmp1:
0x28: {  	[bflag:$0x0] =	sbarrier.arrive $0xFFFF;
	(pc) =	sbr.rel @p0 .LBB2_1-.Ltmp1, $4  }
0x29: {  	[hbm:s7], [sflag:s11] =	dma.local [spmem:s12], $0x2780  }
0x2a: {  	_ =	swait.ge [sflag:s9], $0x2780  }
0x2b: {  	[sflag:s9] =	ssyncset.done $0x0  }
0x2c: {  	[sflag:s9] =	ssyncadd.s32 $0xFFFFD880  }
0x2d: {  	_ =	sfence.sel $0x180000  }
0x2e: {  	[bflag:$0x0] =	sbarrier.arrive $0xFFFF  }
0x2f: {  	p0 =	sne.s32 s0, $0x0;
	_ =	strace $0x90000047  }
0x30: {  	s0 =	sadd.s32 @!p0 $0x100000, s1;
	[bflag:$0x2] =	sbarrier.arrive $0xFFFF  }
0x31: {  	[sflag:s0] =	ssyncadd.tile.s32 @!p0 $0x1;
	_ =	shalt  }
.Lfunc_end2:
_tile_overlayer_lowered:
.L_overlay_start_2:
0x32: {  	(tag) =	ssettag $0x2  }
0x33: {  	s0 =	rddreg [dreg:$0x0];
	s2 =	stileid.u32  }
0x34: {  	s1 =	rddreg [dreg:$0x1];
	p0 =	sne.s32 s2, $0x0  }
0x35: {  	s3 =	rddreg [dreg:$0x2];
	[bflag:$0x3] =	sbarrier.arrive $0xFFFF;
	s2 =	simm.s32 @!p0 $0x1C01  }
0x36: {  	[timem:s3], [sflag:s2] =	dma.local @!p0 [hbm:s0], s1  }
0x37: {  	s0 =	simm.s32 @!p0 $0x1  }
0x38: {  	_ =	swait.ge @!p0 [sflag:s0], s1  }
0x39: {  	s1 =	ssub.s32 @!p0 $0x0, s1;
	[sflag:s0] =	ssyncset.done @!p0 $0x0  }
0x3a: {  	[sflag:s0] =	ssyncadd.s32 @!p0 s1  }
0x3b: {  	[bflag:$0x3] =	sbarrier.arrive $0xFFFF  }
0x3c: {  	_ =	shalt  }

// kernel: kernel.13.cloned.1.call-start
scs
__scs_entry_jumppad:
0x0: {  	(pc) =	sbr.rel $0x88, $3  }
0x1: {  	(tag) =	ssettag $0x0;
	lr =	simm.s32 $0x1  }
0x2: {  	[smem:$0x3F97] =	sst lr;
	_ =	strace $0xD0000000  }
0x3: {  	_ = 	snop  }
0x4: {  	_ = 	snop  }
0x5: {  	_ = 	snop  }
0x6: {  	_ = 	snop  }
0x7: {  	_ = 	snop  }
__scs_overlays_trampoline_lowered:
0x8: {  	[smem:$0x3FA6] =	sst s0  }
0x9: {  	[smem:$0x3FA7] =	sst s1  }
0xa: {  	[smem:$0x3FA8] =	sst s2  }
0xb: {  	[smem:$0x3FA9] =	sst s3  }
0xc: {  	[smem:$0x3FAA] =	sst s4  }
0xd: {  	[smem:$0x3FAB] =	sst s5  }
0xe: {  	[smem:$0x3FAC] =	sst s6  }
0xf: {  	[smem:$0x3FAD] =	sst s7  }
0x10: {  	[smem:$0x3FAE] =	sst s8  }
0x11: {  	[smem:$0x3FAF] =	sst s9;
	s0 =	simm.s32 @!p0 $0x0  }
0x12: {  	s1 =	sld [smem:$0x3F95];
	s0 =	simm.s32 @p0 $0x1  }
0x13: {  	[smem:$0x3FB0] =	sst s0;
	s0 =	simm.s32 @!p1 $0x0  }
0x14: {  	s2 =	sld [smem:$0x3F94];
	s0 =	simm.s32 @p1 $0x1  }
0x15: {  	[smem:$0x3FB1] =	sst s0;
	s0 =	simm.s32 @!p2 $0x0  }
0x16: {  	s3 =	sld [smem:$0x3FDB];
	s0 =	simm.s32 @p2 $0x1  }
0x17: {  	s4 =	simm.s32 $0x1BF5;
	[smem:$0x3FB3] =	sst s0  }
0x18: {  	s0 =	sld [smem:$0x3F96];
	_ =	swait.ge [sflag:s4], $0x0  }
0x19: {  	s7 =	sld [smem:$0x3F97]  }
0x1a: {  	s8 =	sadd.s32 $0xFFFFE003, lr  }
0x1b: {  	s9 =	sadd.s32 $0xFFFFFEF7, lr;
	s5 =	simm.s32 $0xFFFFFFFF;
	p2 =	slt.u32 s8, $0xFFFFF086  }
0x1c: {  	p1 =	slt.u32 s9, $0xF7A;
	s5 =	simm.s32 @!p2 $0x0  }
0x1d: {  	s5 =	simm.s32 @p1 $0x1;
	p0 =	seq.s32 s7, s2  }
0x1e: {  	s7 =	smul.u32 @!p0 $0xF7A, s2;
	p2 =	seq.s32 @!p0 s5, $0x0  }
0x1f: {  	s9 =	smul.u32 $0xF7A, s1;
	s8 =	simm.s32 @!p0 $0x1BF5;
	p2 =	por !p2, p0  }
0x20: {  	[sflag:s8] =	ssyncset.s32 @!p0 $0xFFFFF086;
	s6 =	sadd.s32 @!p0 s3, s7;
	s7 =	simm.s32 @!p0 $0x108  }
0x21: {  	s3 =	sadd.s32 s3, s9;
	s6 =	sadd.s32 @!p0 $0x88, s6;
	s7 =	simm.s32 @p2 $0x1082  }
0x22: {  	[simem:s7], [sflag:s8] =	dma.local @!p0 [hbm:s6], $0xF7A  }
0x23: {  	s9 =	sor.u32 $0xD0000000, s2;
	s6 =	simm.s32 $0x108;
	_ =	swait.ge @!p0 [sflag:s8], $0x0  }
0x24: {  	s3 =	sadd.s32 $0x88, s3;
	s6 =	simm.s32 @!p1 $0x1082;
	[sflag:s4] =	ssyncset.s32 $0xFFFFF086  }
0x25: {  	[simem:s6], [sflag:s4] =	dma.local [hbm:s3], $0xF7A  }
0x26: {  	[smem:$0x3F97] =	sst s1;
	(tag) =	ssettag s2;
	_ =	strace s9  }
0x27: {  	s1 =	sld [smem:$0x3FA7]  }
0x28: {  	s2 =	sld [smem:$0x3FA8]  }
0x29: {  	s4 =	sld [smem:$0x3FAA]  }
0x2a: {  	p0 =	seq.s32 s5, $0x0;
	s5 =	sld [smem:$0x3FAB]  }
0x2b: {  	s6 =	sld [smem:$0x3FAC]  }
0x2c: {  	s7 =	sld [smem:$0x3FAD]  }
0x2d: {  	s3 =	simm.s32 $0x108;
	s8 =	sld [smem:$0x3FAE]  }
0x2e: {  	s3 =	simm.s32 @!p0 $0x1082;
	s9 =	sld [smem:$0x3FAF]  }
0x2f: {  	lr =	sadd.s32 s0, s3;
	s0 =	sld [smem:$0x3FA6]  }
0x30: {  	s3 =	sld [smem:$0x3FA9]  }
0x31: {  	[smem:$0x3FB2] =	sst s10  }
0x32: {  	s10 =	sld [smem:$0x3FB0];
	_ =	sdelay $0x3  }
0x33: {  	p0 =	seq.s32 s10, $0x1;
	s10 =	sld [smem:$0x3FB2];
	_ =	sdelay $0x3  }
0x34: {  	[smem:$0x3FB2] =	sst s10  }
0x35: {  	s10 =	sld [smem:$0x3FB1];
	_ =	sdelay $0x3  }
0x36: {  	p1 =	seq.s32 s10, $0x1;
	s10 =	sld [smem:$0x3FB2];
	_ =	sdelay $0x3  }
0x37: {  	[smem:$0x3FB2] =	sst s10  }
0x38: {  	s10 =	sld [smem:$0x3FB3]  }
0x39: {  	_ = 	snop;
	(pc) =	sbr.ind lr, $3  }
0x3a: {  	_ = 	snop  }
0x3b: {  	_ = 	snop  }
0x3c: {  	p2 =	seq.s32 s10, $0x1;
	s10 =	sld [smem:$0x3FB2]  }
0x3d: {  	_ =	shalt  }
0x3e: {  	_ =	shalt  }
0x3f: {  	_ =	shalt  }
0x40: {  	_ =	shalt  }
0x41: {  	_ =	shalt  }
0x42: {  	_ =	shalt  }
0x43: {  	_ =	shalt  }
0x44: {  	_ =	shalt  }
0x45: {  	_ =	shalt  }
0x46: {  	_ =	shalt  }
0x47: {  	_ =	shalt  }
0x48: {  	_ =	shalt  }
0x49: {  	_ =	shalt  }
0x4a: {  	_ =	shalt  }
0x4b: {  	_ =	shalt  }
0x4c: {  	_ =	shalt  }
0x4d: {  	_ =	shalt  }
0x4e: {  	_ =	shalt  }
0x4f: {  	_ =	shalt  }
0x50: {  	_ =	shalt  }
0x51: {  	_ =	shalt  }
0x52: {  	_ =	shalt  }
0x53: {  	_ =	shalt  }
0x54: {  	_ =	shalt  }
0x55: {  	_ =	shalt  }
0x56: {  	_ =	shalt  }
0x57: {  	_ =	shalt  }
0x58: {  	_ =	shalt  }
0x59: {  	_ =	shalt  }
0x5a: {  	_ =	shalt  }
0x5b: {  	_ =	shalt  }
0x5c: {  	_ =	shalt  }
0x5d: {  	_ =	shalt  }
0x5e: {  	_ =	shalt  }
0x5f: {  	_ =	shalt  }
0x60: {  	_ =	shalt  }
0x61: {  	_ =	shalt  }
0x62: {  	_ =	shalt  }
0x63: {  	_ =	shalt  }
0x64: {  	_ =	shalt  }
0x65: {  	_ =	shalt  }
0x66: {  	_ =	shalt  }
0x67: {  	_ =	shalt  }
0x68: {  	_ =	shalt  }
0x69: {  	_ =	shalt  }
0x6a: {  	_ =	shalt  }
0x6b: {  	_ =	shalt  }
0x6c: {  	_ =	shalt  }
0x6d: {  	_ =	shalt  }
0x6e: {  	_ =	shalt  }
0x6f: {  	_ =	shalt  }
0x70: {  	_ =	shalt  }
0x71: {  	_ =	shalt  }
0x72: {  	_ =	shalt  }
0x73: {  	_ =	shalt  }
0x74: {  	_ =	shalt  }
0x75: {  	_ =	shalt  }
0x76: {  	_ =	shalt  }
0x77: {  	_ =	shalt  }
0x78: {  	_ =	shalt  }
0x79: {  	_ =	shalt  }
0x7a: {  	_ =	shalt  }
0x7b: {  	_ =	shalt  }
0x7c: {  	_ =	shalt  }
0x7d: {  	_ =	shalt  }
0x7e: {  	_ =	shalt  }
0x7f: {  	_ =	shalt  }
0x80: {  	_ =	shalt  }
0x81: {  	_ =	shalt  }
0x82: {  	_ =	shalt  }
0x83: {  	_ =	shalt  }
0x84: {  	_ =	shalt  }
0x85: {  	_ =	shalt  }
0x86: {  	_ =	shalt  }
0x87: {  	_ =	shalt  }
.Lfunc_end0:
.L_simem_size_0:
called_computation.1_lowered:
.L_overlay_start_0:
0x88: {  	s2 =	sld [smem:$0x3FD9]  }
0x89: {  	s3 =	sld [smem:$0x3FFE];
	_ =	sdelay $0x1  }
0x8a: {  	s1 =	srdreg.scid  }
0x8b: {  	s0 =	sand.u32 $0x1, s1  }
0x8c: {  	s17 =	sshll.u32 s0, $0xA;
	s2 =	sadd.s32 s3, s2  }
0x8d: {  	s2 =	sadd.s32 s2, s17  }
0x8e: {  	[smem:$0x3FBE] =	sst s2  }
0x8f: {  	_ = 	snop  }
0x90: {  	s2 =	sld [smem:$0x3FD0];
	(tm) =	ssettm $0x1  }
0x91: {  	s18 =	sld [smem:$0x3FFB];
	_ =	sdelay $0x3  }
0x92: {  	_ =	strace s18  }
0x93: {  	s3 =	sld [smem:$0x3FFC];
	_ =	sdelay $0x3  }
0x94: {  	_ =	strace s3  }
0x95: {  	s3 =	sld [smem:$0x3FFD];
	_ =	sdelay $0x3  }
0x96: {  	_ =	strace s3  }
0x97: {  	_ =	strace $0x8FFFFFFF  }
0x98: {  	s19 =	sld [smem:$0x3FDB];
	_ =	sdelay $0x1  }
0x99: {  	s4 =	simm.s32 $_scs_section_size  }
0x9a: {  	s5 =	simm.s32 $_size__tile_overlayer_lowered;
	s6 =	simm.s32 $_tile_overlayer_lowered  }
0x9b: {  	s22 =	simm.s32 $0x1BFF;
	s21 =	sshll.u32 s6, $0x1;
	s3 =	sadd.s32 s4, s19  }
0x9c: {  	s7 =	simm.s32 $0x0;
	s20 =	sshll.u32 s5, $0x1;
	s5 =	sadd.s32 s21, s3  }
0x9d: {  	[timem:s7], [sflag:s22] =	dma.local [hbm:s5], s20  }
0x9e: {  	_ =	swait.ge [sflag:s22], s20  }
0x9f: {  	s4 =	ssub.s32 $0x0, s20;
	[sflag:s22] =	ssyncset.done $0x0  }
0xa0: {  	[sflag:s22] =	ssyncadd.s32 s4;
	_ =	sdelay $0x1  }
0xa1: {  	s23 =	simm.s32 $0x1B8B  }
0xa2: {  	_ =	swait.ge [sflag:s23], $0x1  }
0xa3: {  	[sflag:s23] =	ssyncset.done $0x0  }
0xa4: {  	s25 =	simm.s32 $0x1B8E;
	s24 =	sld [smem:$0x3FFE];
	[sflag:s23] =	ssyncadd.s32 $0xFFFFFFFF  }
0xa5: {  	s26 =	simm.s32 $execute0_lowered;
	[smem:$0x3FD2] =	sst s25  }
0xa6: {  	s5 =	sshll.u32 s26, $0x1;
	_ =	strace $0x80000049;
	[dreg:$0x1] =	wrdreg $0xFFFFFFFF  }
0xa7: {  	s28 =	simm.s32 $_size_execute0_lowered;
	s3 =	sadd.s32 s3, s5;
	[dreg:$0x0] =	wrdreg $0x0  }
0xa8: {  	s5 =	sshll.u32 s28, $0x1;
	[dreg:$0x2] =	wrdreg s3  }
0xa9: {  	[dreg:$0x3] =	wrdreg s5  }
0xaa: {  	[dreg:$0x4] =	wrdreg $0xC0  }
0xab: {  	_ =	task [dreg:s7], $0x5FFFF  }
0xac: {  	[dreg:$0x1] =	wrdreg $0xFFFFFFFF  }
0xad: {  	[dreg:$0x0] =	wrdreg $0x60  }
0xae: {  	[dreg:$0x2] =	wrdreg s24  }
0xaf: {  	[dreg:$0x3] =	wrdreg s2  }
0xb0: {  	[dreg:$0x4] =	wrdreg $0x90000  }
0xb1: {  	[dreg:$0x5] =	wrdreg $0x9  }
0xb2: {  	_ =	task.clear_ibuf [dreg:s7], $0x6FFFF;
	_ =	strace $0x90000049  }
0xb3: {  	s29 =	simm.s32 $0x9;
	_ =	strace $0x8000004B  }
0xb4: {  	_ =	swait.ge [sflag:s29], $0x1  }
0xb5: {  	[sflag:s29] =	ssyncadd.s32 $0xFFFFFFFF  }
0xb6: {  	_ =	strace $0x9000004B  }
0xb7: {  	_ =	sfence  }
0xb8: {  	s30 =	sld [smem:$0x0];
	_ =	sdelay $0x2  }
0xb9: {  	s31 =	sshll.u32 s1, $0xD;
	s1 =	sshrl.u32 s1, $0x2  }
0xba: {  	s3 =	sand.u32 $0x4000, s31;
	s1 =	sadd.s32 s1, s30  }
0xbb: {  	s0 =	sor.u32 s3, s0;
	s1 =	sshll.u32 s1, $0x11  }
0xbc: {  	s0 =	sor.u32 s1, s0  }
0xbd: {  	s0 =	sadd.s32 $0x8F2B, s0  }
0xbe: {  	[sflag:s0] =	ssyncadd.remote.s32 $0x1  }
0xbf: {  	_ =	sfence.sel $0xFFFF  }
0xc0: {  	[dreg:$0x0] =	wrdreg $0xFFFFFFFF;
	(pc) =	sbr.abs _section_cstart, $3  }
0xc1: {  	[dreg:$0x1] =	wrdreg $0xFFFFFFFF  }
0xc2: {  	_ =	task.clear_ibuf [dreg:s7], $0x2FFFF;
	_ =	strace $0x9FFFFFFF  }
0xc3: {  	(tm) =	ssettm $0x7FFFFFFF  }
tec
execute0_lowered:
.L_overlay_start_1:
0x0: {  	(tag) =	ssettag $0x1  }
0x1: {  	s6 =	rddreg [dreg:$0x0]  }
0x2: {  	s2 =	rddreg [dreg:$0x1]  }
0x3: {  	s0 =	srdreg.scid;
	s3 =	rddreg [dreg:$0x2]  }
0x4: {  	s1 =	rddreg [dreg:$0x3];
	s5 =	sand.u32 $0x1, s0  }
0x5: {  	s4 =	simm.s32 $0x0;
	s0 =	stileid.u32;
	s7 =	smul.u32 $0x28000, s5  }
0x6: {  	s11 =	simm.s32 $0x2800;
	s14 =	simm.s32 $0x80;
	s8 =	smul.u32 $0x2800, s0  }
0x7: {  	s15 =	simm.s32 $0x5000;
	[smem:$0x7FF] =	sst s4;
	s9 =	smul.u32 $0x13C000, s5  }
0x8: {  	s16 =	simm.s32 $0x0;
	s29 =	smul.u32 $0x13C00, s0;
	_ =	strace $0x8000004A  }
0x9: {  	s30 =	ssub.s32 $0x2, s5;
	s10 =	smul.u32 $0x4F000, s0;
	s12 =	sshll.u32 s0, $0x6  }
0xa: {  	s5 =	sadd.s32 $0x67600, s6;
	s31 =	sshrl.u32 s30, $0x1;
	s12 =	sor.u32 $0x1C01, s12  }
0xb: {  	s7 =	sadd.s32 s8, s7;
	s8 =	sadd.s32 s29, s9;
	s9 =	ssub.s32 s30, s31  }
0xc: {  	s10 =	sshrl.u32 s10, $0x2;
	s7 =	sshrl.u32 s7, $0x3;
	s8 =	sshrl.u32 s8, $0x3  }
0xd: {  	s13 =	sadd.s32 s10, s3;
	s9 =	smax.u32 s9, $0x1;
	s10 =	simm.s32 $0x1  }
0xe: {  	s7 =	sadd.s32 s7, s6;
	s8 =	sadd.s32 s8, s6;
	s13 =	sshrl.u32 s13, $0x3  }
0xf: {  	s6 =	sadd.s32 $0x5D600, s7;
	s7 =	sadd.s32 $0x3E00, s7;
	s8 =	sadd.s32 $0x8E800, s8  }
.LBB2_1:
0x10: {  	[tilespmem:s4], [sflag:$0x1] =	stream.linear.gather [hbm4b:s6+s4], $0x2780, $0x38;
	[tilespmem:$0x1CC00] =	vst v63  }
0x11: {  	_ =	swait.ge [sflag:s10], $0x2780  }
0x12: {  	[sflag:s10] =	ssyncset.done $0x0  }
0x13: {  	[sflag:s10] =	ssyncadd.s32 $0xFFFFD880  }
0x14: {  	[tilespmem:s11], [sflag:$0x1] =	stream.linear.gather [hbm4b:s7+s4], $0x2780, $0x38;
	[tilespmem:$0x1CC00] =	vst v63  }
0x15: {  	_ =	swait.ge [sflag:s10], $0x2780  }
0x16: {  	[sflag:s10] =	ssyncset.done $0x0  }
0x17: {  	[sflag:s10] =	ssyncadd.s32 $0xFFFFD880  }
0x18: {  	[spmem:s13], [sflag:s12] =	dma.local [hbm:s2], $0x2780  }
0x19: {  	_ =	swait.ge [sflag:s10], $0x2780  }
0x1a: {  	[sflag:s10] =	ssyncset.done $0x0  }
0x1b: {  	[sflag:s10] =	ssyncadd.s32 $0xFFFFD880  }
0x1c: {  	s17 =	simm.s32 $0x0;
	[bflag:$0x0] =	sbarrier.arrive $0xFFFF  }
0x1d: {  	[tilespmem:s15], [sflag:$0x1] =	stream.indirect.gather [hbm4b:s5+s14], $0x80, s17, s14, $0xb8;
	[tilespmem:$0x1CC00] =	vst v63  }
0x1e: {  	_ =	swait.ge [sflag:s10], $0x4000  }
0x1f: {  	[sflag:s10] =	ssyncset.done $0x0  }
0x20: {  	s31 =	simm.s32 $0x2800;
	[sflag:s10] =	ssyncadd.s32 $0xFFFFC000  }
0x21: {  	[spmem:s3] =	stream.indirect.scatter.add.f32 [tilespmem:s15], [sflag:$0x1], $0x80, s31, s14, $0xb8;
	[tilespmem:$0x1CC00] =	vst v63  }
0x22: {  	_ =	swait.ge [sflag:s10], $0x4000  }
0x23: {  	s18 =	simm.s32 $0x400;
	s17 =	simm.s32 $0x200;
	[sflag:s10] =	ssyncset.done $0x0  }
.LBB2_2:
0x24: {  	s19 =	sshra.s32 s17, $0x2  }
0x25: {  	[sflag:s10] =	ssyncadd.s32 $0xFFFFC000;
	s17 =	smov.u32 s18;
	s20 =	sadd.s32 $0x200, s18  }
0x26: {  	[tilespmem:s15], [sflag:$0x1] =	stream.indirect.gather [hbm4b:s5+s14], $0x80, s19, s14, $0xb8;
	[tilespmem:$0x1CC00] =	vst v63  }
0x27: {  	p0 =	sne.s32 s18, $0x9C00;
	_ =	swait.ge [sflag:s10], $0x4000  }
.Ltmp0:
0x28: {  	[sflag:s10] =	ssyncset.done $0x0;
	(pc) =	sbr.rel @p0 .LBB2_2-.Ltmp0, $4  }
0x29: {  	s18 =	sadd.s32 $0x2800, s19;
	[sflag:s10] =	ssyncadd.s32 $0xFFFFC000  }
0x2a: {  	[spmem:s3] =	stream.indirect.scatter.add.f32 [tilespmem:s15], [sflag:$0x1], $0x80, s18, s14, $0xb8;
	[tilespmem:$0x1CC00] =	vst v63  }
0x2b: {  	_ =	swait.ge [sflag:s10], $0x4000  }
0x2c: {  	s18 =	smov.u32 s20;
	[sflag:s10] =	ssyncset.done $0x0  }
0x2d: {  	s17 =	sshra.s32 s17, $0x2;
	[sflag:s10] =	ssyncadd.s32 $0xFFFFC000  }
0x2e: {  	[tilespmem:s15], [sflag:$0x1] =	stream.indirect.gather [hbm4b:s5+s14], $0x80, s17, s14, $0xb8;
	[tilespmem:$0x1CC00] =	vst v63  }
0x2f: {  	_ =	swait.ge [sflag:s10], $0x4000  }
0x30: {  	[sflag:s10] =	ssyncset.done $0x0  }
0x31: {  	s17 =	sadd.s32 $0x2800, s17;
	[sflag:s10] =	ssyncadd.s32 $0xFFFFC000  }
0x32: {  	[spmem:s3] =	stream.indirect.scatter.add.f32 [tilespmem:s15], [sflag:$0x1], $0x80, s17, s14, $0xb8;
	[tilespmem:$0x1CC00] =	vst v63  }
0x33: {  	_ =	swait.ge [sflag:s10], $0x4000  }
0x34: {  	s16 =	sadd.s32 $0x1, s16;
	[sflag:s10] =	ssyncset.done $0x0  }
0x35: {  	p0 =	sne.s32 s16, s9;
	[sflag:s10] =	ssyncadd.s32 $0xFFFFC000  }
.Ltmp1:
0x36: {  	[bflag:$0x0] =	sbarrier.arrive $0xFFFF;
	(pc) =	sbr.rel @p0 .LBB2_1-.Ltmp1, $4  }
0x37: {  	[hbm:s8], [sflag:s12] =	dma.local [spmem:s13], $0x2780  }
0x38: {  	_ =	swait.ge [sflag:s10], $0x2780  }
0x39: {  	[sflag:s10] =	ssyncset.done $0x0  }
0x3a: {  	[sflag:s10] =	ssyncadd.s32 $0xFFFFD880  }
0x3b: {  	_ =	sfence.sel $0x180000  }
0x3c: {  	[bflag:$0x0] =	sbarrier.arrive $0xFFFF  }
0x3d: {  	p0 =	sne.s32 s0, $0x0;
	_ =	strace $0x9000004A  }
0x3e: {  	s0 =	sadd.s32 @!p0 $0x100000, s1;
	[bflag:$0x2] =	sbarrier.arrive $0xFFFF  }
0x3f: {  	[sflag:s0] =	ssyncadd.tile.s32 @!p0 $0x1;
	_ =	shalt  }
.Lfunc_end2:
_tile_overlayer_lowered:
.L_overlay_start_2:
0x40: {  	(tag) =	ssettag $0x2  }
0x41: {  	s0 =	rddreg [dreg:$0x0];
	s2 =	stileid.u32  }
0x42: {  	s1 =	rddreg [dreg:$0x1];
	p0 =	sne.s32 s2, $0x0  }
0x43: {  	s3 =	rddreg [dreg:$0x2];
	[bflag:$0x3] =	sbarrier.arrive $0xFFFF;
	s2 =	simm.s32 @!p0 $0x1C01  }
0x44: {  	[timem:s3], [sflag:s2] =	dma.local @!p0 [hbm:s0], s1  }
0x45: {  	s0 =	simm.s32 @!p0 $0x1  }
0x46: {  	_ =	swait.ge @!p0 [sflag:s0], s1  }
0x47: {  	s1 =	ssub.s32 @!p0 $0x0, s1;
	[sflag:s0] =	ssyncset.done @!p0 $0x0  }
0x48: {  	[sflag:s0] =	ssyncadd.s32 @!p0 s1  }
0x49: {  	[bflag:$0x3] =	sbarrier.arrive $0xFFFF  }
0x4a: {  	_ =	shalt  }

// kernel: kernel.16.cloned.1.call-start
scs
__scs_entry_jumppad:
0x0: {  	(pc) =	sbr.rel $0x88, $3  }
0x1: {  	(tag) =	ssettag $0x0;
	lr =	simm.s32 $0x1  }
0x2: {  	[smem:$0x3F97] =	sst lr;
	_ =	strace $0xD0000000  }
0x3: {  	_ = 	snop  }
0x4: {  	_ = 	snop  }
0x5: {  	_ = 	snop  }
0x6: {  	_ = 	snop  }
0x7: {  	_ = 	snop  }
__scs_overlays_trampoline_lowered:
0x8: {  	[smem:$0x3FA6] =	sst s0  }
0x9: {  	[smem:$0x3FA7] =	sst s1  }
0xa: {  	[smem:$0x3FA8] =	sst s2  }
0xb: {  	[smem:$0x3FA9] =	sst s3  }
0xc: {  	[smem:$0x3FAA] =	sst s4  }
0xd: {  	[smem:$0x3FAB] =	sst s5  }
0xe: {  	[smem:$0x3FAC] =	sst s6  }
0xf: {  	[smem:$0x3FAD] =	sst s7  }
0x10: {  	[smem:$0x3FAE] =	sst s8  }
0x11: {  	[smem:$0x3FAF] =	sst s9;
	s0 =	simm.s32 @!p0 $0x0  }
0x12: {  	s1 =	sld [smem:$0x3F95];
	s0 =	simm.s32 @p0 $0x1  }
0x13: {  	[smem:$0x3FB0] =	sst s0;
	s0 =	simm.s32 @!p1 $0x0  }
0x14: {  	s2 =	sld [smem:$0x3F94];
	s0 =	simm.s32 @p1 $0x1  }
0x15: {  	[smem:$0x3FB1] =	sst s0;
	s0 =	simm.s32 @!p2 $0x0  }
0x16: {  	s3 =	sld [smem:$0x3FDB];
	s0 =	simm.s32 @p2 $0x1  }
0x17: {  	s4 =	simm.s32 $0x1BF5;
	[smem:$0x3FB3] =	sst s0  }
0x18: {  	s0 =	sld [smem:$0x3F96];
	_ =	swait.ge [sflag:s4], $0x0  }
0x19: {  	s7 =	sld [smem:$0x3F97]  }
0x1a: {  	s8 =	sadd.s32 $0xFFFFE003, lr  }
0x1b: {  	s9 =	sadd.s32 $0xFFFFFEF7, lr;
	s5 =	simm.s32 $0xFFFFFFFF;
	p2 =	slt.u32 s8, $0xFFFFF086  }
0x1c: {  	p1 =	slt.u32 s9, $0xF7A;
	s5 =	simm.s32 @!p2 $0x0  }
0x1d: {  	s5 =	simm.s32 @p1 $0x1;
	p0 =	seq.s32 s7, s2  }
0x1e: {  	s7 =	smul.u32 @!p0 $0xF7A, s2;
	p2 =	seq.s32 @!p0 s5, $0x0  }
0x1f: {  	s9 =	smul.u32 $0xF7A, s1;
	s8 =	simm.s32 @!p0 $0x1BF5;
	p2 =	por !p2, p0  }
0x20: {  	[sflag:s8] =	ssyncset.s32 @!p0 $0xFFFFF086;
	s6 =	sadd.s32 @!p0 s3, s7;
	s7 =	simm.s32 @!p0 $0x108  }
0x21: {  	s3 =	sadd.s32 s3, s9;
	s6 =	sadd.s32 @!p0 $0x88, s6;
	s7 =	simm.s32 @p2 $0x1082  }
0x22: {  	[simem:s7], [sflag:s8] =	dma.local @!p0 [hbm:s6], $0xF7A  }
0x23: {  	s9 =	sor.u32 $0xD0000000, s2;
	s6 =	simm.s32 $0x108;
	_ =	swait.ge @!p0 [sflag:s8], $0x0  }
0x24: {  	s3 =	sadd.s32 $0x88, s3;
	s6 =	simm.s32 @!p1 $0x1082;
	[sflag:s4] =	ssyncset.s32 $0xFFFFF086  }
0x25: {  	[simem:s6], [sflag:s4] =	dma.local [hbm:s3], $0xF7A  }
0x26: {  	[smem:$0x3F97] =	sst s1;
	(tag) =	ssettag s2;
	_ =	strace s9  }
0x27: {  	s1 =	sld [smem:$0x3FA7]  }
0x28: {  	s2 =	sld [smem:$0x3FA8]  }
0x29: {  	s4 =	sld [smem:$0x3FAA]  }
0x2a: {  	p0 =	seq.s32 s5, $0x0;
	s5 =	sld [smem:$0x3FAB]  }
0x2b: {  	s6 =	sld [smem:$0x3FAC]  }
0x2c: {  	s7 =	sld [smem:$0x3FAD]  }
0x2d: {  	s3 =	simm.s32 $0x108;
	s8 =	sld [smem:$0x3FAE]  }
0x2e: {  	s3 =	simm.s32 @!p0 $0x1082;
	s9 =	sld [smem:$0x3FAF]  }
0x2f: {  	lr =	sadd.s32 s0, s3;
	s0 =	sld [smem:$0x3FA6]  }
0x30: {  	s3 =	sld [smem:$0x3FA9]  }
0x31: {  	[smem:$0x3FB2] =	sst s10  }
0x32: {  	s10 =	sld [smem:$0x3FB0];
	_ =	sdelay $0x3  }
0x33: {  	p0 =	seq.s32 s10, $0x1;
	s10 =	sld [smem:$0x3FB2];
	_ =	sdelay $0x3  }
0x34: {  	[smem:$0x3FB2] =	sst s10  }
0x35: {  	s10 =	sld [smem:$0x3FB1];
	_ =	sdelay $0x3  }
0x36: {  	p1 =	seq.s32 s10, $0x1;
	s10 =	sld [smem:$0x3FB2];
	_ =	sdelay $0x3  }
0x37: {  	[smem:$0x3FB2] =	sst s10  }
0x38: {  	s10 =	sld [smem:$0x3FB3]  }
0x39: {  	_ = 	snop;
	(pc) =	sbr.ind lr, $3  }
0x3a: {  	_ = 	snop  }
0x3b: {  	_ = 	snop  }
0x3c: {  	p2 =	seq.s32 s10, $0x1;
	s10 =	sld [smem:$0x3FB2]  }
0x3d: {  	_ =	shalt  }
0x3e: {  	_ =	shalt  }
0x3f: {  	_ =	shalt  }
0x40: {  	_ =	shalt  }
0x41: {  	_ =	shalt  }
0x42: {  	_ =	shalt  }
0x43: {  	_ =	shalt  }
0x44: {  	_ =	shalt  }
0x45: {  	_ =	shalt  }
0x46: {  	_ =	shalt  }
0x47: {  	_ =	shalt  }
0x48: {  	_ =	shalt  }
0x49: {  	_ =	shalt  }
0x4a: {  	_ =	shalt  }
0x4b: {  	_ =	shalt  }
0x4c: {  	_ =	shalt  }
0x4d: {  	_ =	shalt  }
0x4e: {  	_ =	shalt  }
0x4f: {  	_ =	shalt  }
0x50: {  	_ =	shalt  }
0x51: {  	_ =	shalt  }
0x52: {  	_ =	shalt  }
0x53: {  	_ =	shalt  }
0x54: {  	_ =	shalt  }
0x55: {  	_ =	shalt  }
0x56: {  	_ =	shalt  }
0x57: {  	_ =	shalt  }
0x58: {  	_ =	shalt  }
0x59: {  	_ =	shalt  }
0x5a: {  	_ =	shalt  }
0x5b: {  	_ =	shalt  }
0x5c: {  	_ =	shalt  }
0x5d: {  	_ =	shalt  }
0x5e: {  	_ =	shalt  }
0x5f: {  	_ =	shalt  }
0x60: {  	_ =	shalt  }
0x61: {  	_ =	shalt  }
0x62: {  	_ =	shalt  }
0x63: {  	_ =	shalt  }
0x64: {  	_ =	shalt  }
0x65: {  	_ =	shalt  }
0x66: {  	_ =	shalt  }
0x67: {  	_ =	shalt  }
0x68: {  	_ =	shalt  }
0x69: {  	_ =	shalt  }
0x6a: {  	_ =	shalt  }
0x6b: {  	_ =	shalt  }
0x6c: {  	_ =	shalt  }
0x6d: {  	_ =	shalt  }
0x6e: {  	_ =	shalt  }
0x6f: {  	_ =	shalt  }
0x70: {  	_ =	shalt  }
0x71: {  	_ =	shalt  }
0x72: {  	_ =	shalt  }
0x73: {  	_ =	shalt  }
0x74: {  	_ =	shalt  }
0x75: {  	_ =	shalt  }
0x76: {  	_ =	shalt  }
0x77: {  	_ =	shalt  }
0x78: {  	_ =	shalt  }
0x79: {  	_ =	shalt  }
0x7a: {  	_ =	shalt  }
0x7b: {  	_ =	shalt  }
0x7c: {  	_ =	shalt  }
0x7d: {  	_ =	shalt  }
0x7e: {  	_ =	shalt  }
0x7f: {  	_ =	shalt  }
0x80: {  	_ =	shalt  }
0x81: {  	_ =	shalt  }
0x82: {  	_ =	shalt  }
0x83: {  	_ =	shalt  }
0x84: {  	_ =	shalt  }
0x85: {  	_ =	shalt  }
0x86: {  	_ =	shalt  }
0x87: {  	_ =	shalt  }
.Lfunc_end0:
.L_simem_size_0:
called_computation.2_lowered:
.L_overlay_start_0:
0x88: {  	s2 =	sld [smem:$0x3FD9]  }
0x89: {  	s3 =	sld [smem:$0x3FFE];
	_ =	sdelay $0x1  }
0x8a: {  	s1 =	srdreg.scid  }
0x8b: {  	s0 =	sand.u32 $0x1, s1  }
0x8c: {  	s17 =	sshll.u32 s0, $0xA;
	s2 =	sadd.s32 s3, s2  }
0x8d: {  	s2 =	sadd.s32 s2, s17  }
0x8e: {  	[smem:$0x3FBE] =	sst s2  }
0x8f: {  	_ = 	snop  }
0x90: {  	s2 =	sld [smem:$0x3FD0];
	(tm) =	ssettm $0x1  }
0x91: {  	s18 =	sld [smem:$0x3FFB];
	_ =	sdelay $0x3  }
0x92: {  	_ =	strace s18  }
0x93: {  	s3 =	sld [smem:$0x3FFC];
	_ =	sdelay $0x3  }
0x94: {  	_ =	strace s3  }
0x95: {  	s3 =	sld [smem:$0x3FFD];
	_ =	sdelay $0x3  }
0x96: {  	_ =	strace s3  }
0x97: {  	_ =	strace $0x8FFFFFFF  }
0x98: {  	s19 =	sld [smem:$0x3FDB];
	_ =	sdelay $0x1  }
0x99: {  	s4 =	simm.s32 $_scs_section_size  }
0x9a: {  	s5 =	simm.s32 $_size__tile_overlayer_lowered;
	s6 =	simm.s32 $_tile_overlayer_lowered  }
0x9b: {  	s22 =	simm.s32 $0x1BFF;
	s21 =	sshll.u32 s6, $0x1;
	s3 =	sadd.s32 s4, s19  }
0x9c: {  	s7 =	simm.s32 $0x0;
	s20 =	sshll.u32 s5, $0x1;
	s5 =	sadd.s32 s21, s3  }
0x9d: {  	[timem:s7], [sflag:s22] =	dma.local [hbm:s5], s20  }
0x9e: {  	_ =	swait.ge [sflag:s22], s20  }
0x9f: {  	s4 =	ssub.s32 $0x0, s20;
	[sflag:s22] =	ssyncset.done $0x0  }
0xa0: {  	[sflag:s22] =	ssyncadd.s32 s4;
	_ =	sdelay $0x1  }
0xa1: {  	s23 =	simm.s32 $0x1B8B  }
0xa2: {  	_ =	swait.ge [sflag:s23], $0x1  }
0xa3: {  	[sflag:s23] =	ssyncset.done $0x0  }
0xa4: {  	s25 =	simm.s32 $0x1B8E;
	s24 =	sld [smem:$0x3FFE];
	[sflag:s23] =	ssyncadd.s32 $0xFFFFFFFF  }
0xa5: {  	s26 =	simm.s32 $execute0_lowered;
	[smem:$0x3FD2] =	sst s25  }
0xa6: {  	s5 =	sshll.u32 s26, $0x1;
	_ =	strace $0x8000004C;
	[dreg:$0x1] =	wrdreg $0xFFFFFFFF  }
0xa7: {  	s28 =	simm.s32 $_size_execute0_lowered;
	s3 =	sadd.s32 s3, s5;
	[dreg:$0x0] =	wrdreg $0x0  }
0xa8: {  	s5 =	sshll.u32 s28, $0x1;
	[dreg:$0x2] =	wrdreg s3  }
0xa9: {  	[dreg:$0x3] =	wrdreg s5  }
0xaa: {  	[dreg:$0x4] =	wrdreg $0xC0  }
0xab: {  	_ =	task [dreg:s7], $0x5FFFF  }
0xac: {  	[dreg:$0x1] =	wrdreg $0xFFFFFFFF  }
0xad: {  	[dreg:$0x0] =	wrdreg $0x60  }
0xae: {  	[dreg:$0x2] =	wrdreg s24  }
0xaf: {  	[dreg:$0x3] =	wrdreg s2  }
0xb0: {  	[dreg:$0x4] =	wrdreg $0x90000  }
0xb1: {  	[dreg:$0x5] =	wrdreg $0x9  }
0xb2: {  	_ =	task.clear_ibuf [dreg:s7], $0x6FFFF;
	_ =	strace $0x9000004C  }
0xb3: {  	s29 =	simm.s32 $0x9;
	_ =	strace $0x8000004E  }
0xb4: {  	_ =	swait.ge [sflag:s29], $0x1  }
0xb5: {  	[sflag:s29] =	ssyncadd.s32 $0xFFFFFFFF  }
0xb6: {  	_ =	strace $0x9000004E  }
0xb7: {  	_ =	sfence  }
0xb8: {  	s30 =	sld [smem:$0x0];
	_ =	sdelay $0x2  }
0xb9: {  	s31 =	sshll.u32 s1, $0xD;
	s1 =	sshrl.u32 s1, $0x2  }
0xba: {  	s3 =	sand.u32 $0x4000, s31;
	s1 =	sadd.s32 s1, s30  }
0xbb: {  	s0 =	sor.u32 s3, s0;
	s1 =	sshll.u32 s1, $0x11  }
0xbc: {  	s0 =	sor.u32 s1, s0  }
0xbd: {  	s0 =	sadd.s32 $0x8F2B, s0  }
0xbe: {  	[sflag:s0] =	ssyncadd.remote.s32 $0x1  }
0xbf: {  	_ =	sfence.sel $0xFFFF  }
0xc0: {  	[dreg:$0x0] =	wrdreg $0xFFFFFFFF;
	(pc) =	sbr.abs _section_cstart, $3  }
0xc1: {  	[dreg:$0x1] =	wrdreg $0xFFFFFFFF  }
0xc2: {  	_ =	task.clear_ibuf [dreg:s7], $0x2FFFF;
	_ =	strace $0x9FFFFFFF  }
0xc3: {  	(tm) =	ssettm $0x7FFFFFFF  }
tec
execute0_lowered:
.L_overlay_start_1:
0x0: {  	(tag) =	ssettag $0x1  }
0x1: {  	s6 =	rddreg [dreg:$0x0]  }
0x2: {  	s2 =	rddreg [dreg:$0x1]  }
0x3: {  	s0 =	srdreg.scid;
	s3 =	rddreg [dreg:$0x2]  }
0x4: {  	s1 =	rddreg [dreg:$0x3];
	s5 =	sand.u32 $0x1, s0  }
0x5: {  	s4 =	simm.s32 $0x0;
	s0 =	stileid.u32;
	s7 =	smul.u32 $0x28000, s5  }
0x6: {  	s11 =	simm.s32 $0x2800;
	s14 =	simm.s32 $0x80;
	s8 =	smul.u32 $0x2800, s0  }
0x7: {  	s15 =	simm.s32 $0x5000;
	[smem:$0x7FF] =	sst s4;
	s9 =	smul.u32 $0x13C000, s5  }
0x8: {  	s16 =	simm.s32 $0x0;
	s29 =	smul.u32 $0x13C00, s0;
	_ =	strace $0x8000004D  }
0x9: {  	s30 =	ssub.s32 $0x2, s5;
	s10 =	smul.u32 $0x4F000, s0;
	s12 =	sshll.u32 s0, $0x6  }
0xa: {  	s5 =	sadd.s32 $0x67600, s6;
	s31 =	sshrl.u32 s30, $0x1;
	s12 =	sor.u32 $0x1C01, s12  }
0xb: {  	s7 =	sadd.s32 s8, s7;
	s8 =	sadd.s32 s29, s9;
	s9 =	ssub.s32 s30, s31  }
0xc: {  	s10 =	sshrl.u32 s10, $0x2;
	s7 =	sshrl.u32 s7, $0x3;
	s8 =	sshrl.u32 s8, $0x3  }
0xd: {  	s13 =	sadd.s32 s10, s3;
	s9 =	smax.u32 s9, $0x1;
	s10 =	simm.s32 $0x1  }
0xe: {  	s7 =	sadd.s32 s7, s6;
	s8 =	sadd.s32 s8, s6;
	s13 =	sshrl.u32 s13, $0x3  }
0xf: {  	s6 =	sadd.s32 $0x5D600, s7;
	s7 =	sadd.s32 $0x3E00, s7;
	s8 =	sadd.s32 $0x8E800, s8  }
.LBB2_1:
0x10: {  	[tilespmem:s4], [sflag:$0x1] =	stream.linear.gather [hbm4b:s6+s4], $0x2780, $0x38;
	[tilespmem:$0x1CC00] =	vst v63  }
0x11: {  	_ =	swait.ge [sflag:s10], $0x2780  }
0x12: {  	[sflag:s10] =	ssyncset.done $0x0  }
0x13: {  	[sflag:s10] =	ssyncadd.s32 $0xFFFFD880  }
0x14: {  	[tilespmem:s11], [sflag:$0x1] =	stream.linear.gather [hbm4b:s7+s4], $0x2780, $0x38;
	[tilespmem:$0x1CC00] =	vst v63  }
0x15: {  	_ =	swait.ge [sflag:s10], $0x2780  }
0x16: {  	[sflag:s10] =	ssyncset.done $0x0  }
0x17: {  	[sflag:s10] =	ssyncadd.s32 $0xFFFFD880  }
0x18: {  	[spmem:s13], [sflag:s12] =	dma.local [hbm:s2], $0x2780  }
0x19: {  	_ =	swait.ge [sflag:s10], $0x2780  }
0x1a: {  	[sflag:s10] =	ssyncset.done $0x0  }
0x1b: {  	[sflag:s10] =	ssyncadd.s32 $0xFFFFD880  }
0x1c: {  	s17 =	simm.s32 $0x0;
	[bflag:$0x0] =	sbarrier.arrive $0xFFFF  }
0x1d: {  	[tilespmem:s15], [sflag:$0x1] =	stream.indirect.gather [hbm4b:s5+s14], $0x80, s17, s14, $0xb8;
	[tilespmem:$0x1CC00] =	vst v63  }
0x1e: {  	_ =	swait.ge [sflag:s10], $0x4000  }
0x1f: {  	[sflag:s10] =	ssyncset.done $0x0  }
0x20: {  	s31 =	simm.s32 $0x2800;
	[sflag:s10] =	ssyncadd.s32 $0xFFFFC000  }
0x21: {  	[spmem:s3] =	stream.indirect.scatter.add.f32 [tilespmem:s15], [sflag:$0x1], $0x80, s31, s14, $0xb8;
	[tilespmem:$0x1CC00] =	vst v63  }
0x22: {  	_ =	swait.ge [sflag:s10], $0x4000  }
0x23: {  	s18 =	simm.s32 $0x400;
	s17 =	simm.s32 $0x200;
	[sflag:s10] =	ssyncset.done $0x0  }
.LBB2_2:
0x24: {  	s19 =	sshra.s32 s17, $0x2  }
0x25: {  	[sflag:s10] =	ssyncadd.s32 $0xFFFFC000;
	s17 =	smov.u32 s18;
	s20 =	sadd.s32 $0x200, s18  }
0x26: {  	[tilespmem:s15], [sflag:$0x1] =	stream.indirect.gather [hbm4b:s5+s14], $0x80, s19, s14, $0xb8;
	[tilespmem:$0x1CC00] =	vst v63  }
0x27: {  	p0 =	sne.s32 s18, $0x9C00;
	_ =	swait.ge [sflag:s10], $0x4000  }
.Ltmp0:
0x28: {  	[sflag:s10] =	ssyncset.done $0x0;
	(pc) =	sbr.rel @p0 .LBB2_2-.Ltmp0, $4  }
0x29: {  	s18 =	sadd.s32 $0x2800, s19;
	[sflag:s10] =	ssyncadd.s32 $0xFFFFC000  }
0x2a: {  	[spmem:s3] =	stream.indirect.scatter.add.f32 [tilespmem:s15], [sflag:$0x1], $0x80, s18, s14, $0xb8;
	[tilespmem:$0x1CC00] =	vst v63  }
0x2b: {  	_ =	swait.ge [sflag:s10], $0x4000  }
0x2c: {  	s18 =	smov.u32 s20;
	[sflag:s10] =	ssyncset.done $0x0  }
0x2d: {  	s17 =	sshra.s32 s17, $0x2;
	[sflag:s10] =	ssyncadd.s32 $0xFFFFC000  }
0x2e: {  	[tilespmem:s15], [sflag:$0x1] =	stream.indirect.gather [hbm4b:s5+s14], $0x80, s17, s14, $0xb8;
	[tilespmem:$0x1CC00] =	vst v63  }
0x2f: {  	_ =	swait.ge [sflag:s10], $0x4000  }
0x30: {  	[sflag:s10] =	ssyncset.done $0x0  }
0x31: {  	s17 =	sadd.s32 $0x2800, s17;
	[sflag:s10] =	ssyncadd.s32 $0xFFFFC000  }
0x32: {  	[spmem:s3] =	stream.indirect.scatter.add.f32 [tilespmem:s15], [sflag:$0x1], $0x80, s17, s14, $0xb8;
	[tilespmem:$0x1CC00] =	vst v63  }
0x33: {  	_ =	swait.ge [sflag:s10], $0x4000  }
0x34: {  	s16 =	sadd.s32 $0x1, s16;
	[sflag:s10] =	ssyncset.done $0x0  }
0x35: {  	p0 =	sne.s32 s16, s9;
	[sflag:s10] =	ssyncadd.s32 $0xFFFFC000  }
.Ltmp1:
0x36: {  	[bflag:$0x0] =	sbarrier.arrive $0xFFFF;
	(pc) =	sbr.rel @p0 .LBB2_1-.Ltmp1, $4  }
0x37: {  	[hbm:s8], [sflag:s12] =	dma.local [spmem:s13], $0x2780  }
0x38: {  	_ =	swait.ge [sflag:s10], $0x2780  }
0x39: {  	[sflag:s10] =	ssyncset.done $0x0  }
0x3a: {  	[sflag:s10] =	ssyncadd.s32 $0xFFFFD880  }
0x3b: {  	_ =	sfence.sel $0x180000  }
0x3c: {  	[bflag:$0x0] =	sbarrier.arrive $0xFFFF  }
0x3d: {  	p0 =	sne.s32 s0, $0x0;
	_ =	strace $0x9000004D  }
0x3e: {  	s0 =	sadd.s32 @!p0 $0x100000, s1;
	[bflag:$0x2] =	sbarrier.arrive $0xFFFF  }
0x3f: {  	[sflag:s0] =	ssyncadd.tile.s32 @!p0 $0x1;
	_ =	shalt  }
.Lfunc_end2:
_tile_overlayer_lowered:
.L_overlay_start_2:
0x40: {  	(tag) =	ssettag $0x2  }
0x41: {  	s0 =	rddreg [dreg:$0x0];
	s2 =	stileid.u32  }
0x42: {  	s1 =	rddreg [dreg:$0x1];
	p0 =	sne.s32 s2, $0x0  }
0x43: {  	s3 =	rddreg [dreg:$0x2];
	[bflag:$0x3] =	sbarrier.arrive $0xFFFF;
	s2 =	simm.s32 @!p0 $0x1C01  }
0x44: {  	[timem:s3], [sflag:s2] =	dma.local @!p0 [hbm:s0], s1  }
0x45: {  	s0 =	simm.s32 @!p0 $0x1  }
0x46: {  	_ =	swait.ge @!p0 [sflag:s0], s1  }
0x47: {  	s1 =	ssub.s32 @!p0 $0x0, s1;
	[sflag:s0] =	ssyncset.done @!p0 $0x0  }
0x48: {  	[sflag:s0] =	ssyncadd.s32 @!p0 s1  }
0x49: {  	[bflag:$0x3] =	sbarrier.arrive $0xFFFF  }
0x4a: {  	_ =	shalt  }

// kernel: kernel.19.cloned.1.call-start
scs
__scs_entry_jumppad:
0x0: {  	(pc) =	sbr.rel $0x88, $3  }
0x1: {  	(tag) =	ssettag $0x0;
	lr =	simm.s32 $0x1  }
0x2: {  	[smem:$0x3F97] =	sst lr;
	_ =	strace $0xD0000000  }
0x3: {  	_ = 	snop  }
0x4: {  	_ = 	snop  }
0x5: {  	_ = 	snop  }
0x6: {  	_ = 	snop  }
0x7: {  	_ = 	snop  }
__scs_overlays_trampoline_lowered:
0x8: {  	[smem:$0x3FA6] =	sst s0  }
0x9: {  	[smem:$0x3FA7] =	sst s1  }
0xa: {  	[smem:$0x3FA8] =	sst s2  }
0xb: {  	[smem:$0x3FA9] =	sst s3  }
0xc: {  	[smem:$0x3FAA] =	sst s4  }
0xd: {  	[smem:$0x3FAB] =	sst s5  }
0xe: {  	[smem:$0x3FAC] =	sst s6  }
0xf: {  	[smem:$0x3FAD] =	sst s7  }
0x10: {  	[smem:$0x3FAE] =	sst s8  }
0x11: {  	[smem:$0x3FAF] =	sst s9;
	s0 =	simm.s32 @!p0 $0x0  }
0x12: {  	s1 =	sld [smem:$0x3F95];
	s0 =	simm.s32 @p0 $0x1  }
0x13: {  	[smem:$0x3FB0] =	sst s0;
	s0 =	simm.s32 @!p1 $0x0  }
0x14: {  	s2 =	sld [smem:$0x3F94];
	s0 =	simm.s32 @p1 $0x1  }
0x15: {  	[smem:$0x3FB1] =	sst s0;
	s0 =	simm.s32 @!p2 $0x0  }
0x16: {  	s3 =	sld [smem:$0x3FDB];
	s0 =	simm.s32 @p2 $0x1  }
0x17: {  	s4 =	simm.s32 $0x1BF5;
	[smem:$0x3FB3] =	sst s0  }
0x18: {  	s0 =	sld [smem:$0x3F96];
	_ =	swait.ge [sflag:s4], $0x0  }
0x19: {  	s7 =	sld [smem:$0x3F97]  }
0x1a: {  	s8 =	sadd.s32 $0xFFFFE003, lr  }
0x1b: {  	s9 =	sadd.s32 $0xFFFFFEF7, lr;
	s5 =	simm.s32 $0xFFFFFFFF;
	p2 =	slt.u32 s8, $0xFFFFF086  }
0x1c: {  	p1 =	slt.u32 s9, $0xF7A;
	s5 =	simm.s32 @!p2 $0x0  }
0x1d: {  	s5 =	simm.s32 @p1 $0x1;
	p0 =	seq.s32 s7, s2  }
0x1e: {  	s7 =	smul.u32 @!p0 $0xF7A, s2;
	p2 =	seq.s32 @!p0 s5, $0x0  }
0x1f: {  	s9 =	smul.u32 $0xF7A, s1;
	s8 =	simm.s32 @!p0 $0x1BF5;
	p2 =	por !p2, p0  }
0x20: {  	[sflag:s8] =	ssyncset.s32 @!p0 $0xFFFFF086;
	s6 =	sadd.s32 @!p0 s3, s7;
	s7 =	simm.s32 @!p0 $0x108  }
0x21: {  	s3 =	sadd.s32 s3, s9;
	s6 =	sadd.s32 @!p0 $0x88, s6;
	s7 =	simm.s32 @p2 $0x1082  }
0x22: {  	[simem:s7], [sflag:s8] =	dma.local @!p0 [hbm:s6], $0xF7A  }
0x23: {  	s9 =	sor.u32 $0xD0000000, s2;
	s6 =	simm.s32 $0x108;
	_ =	swait.ge @!p0 [sflag:s8], $0x0  }
0x24: {  	s3 =	sadd.s32 $0x88, s3;
	s6 =	simm.s32 @!p1 $0x1082;
	[sflag:s4] =	ssyncset.s32 $0xFFFFF086  }
0x25: {  	[simem:s6], [sflag:s4] =	dma.local [hbm:s3], $0xF7A  }
0x26: {  	[smem:$0x3F97] =	sst s1;
	(tag) =	ssettag s2;
	_ =	strace s9  }
0x27: {  	s1 =	sld [smem:$0x3FA7]  }
0x28: {  	s2 =	sld [smem:$0x3FA8]  }
0x29: {  	s4 =	sld [smem:$0x3FAA]  }
0x2a: {  	p0 =	seq.s32 s5, $0x0;
	s5 =	sld [smem:$0x3FAB]  }
0x2b: {  	s6 =	sld [smem:$0x3FAC]  }
0x2c: {  	s7 =	sld [smem:$0x3FAD]  }
0x2d: {  	s3 =	simm.s32 $0x108;
	s8 =	sld [smem:$0x3FAE]  }
0x2e: {  	s3 =	simm.s32 @!p0 $0x1082;
	s9 =	sld [smem:$0x3FAF]  }
0x2f: {  	lr =	sadd.s32 s0, s3;
	s0 =	sld [smem:$0x3FA6]  }
0x30: {  	s3 =	sld [smem:$0x3FA9]  }
0x31: {  	[smem:$0x3FB2] =	sst s10  }
0x32: {  	s10 =	sld [smem:$0x3FB0];
	_ =	sdelay $0x3  }
0x33: {  	p0 =	seq.s32 s10, $0x1;
	s10 =	sld [smem:$0x3FB2];
	_ =	sdelay $0x3  }
0x34: {  	[smem:$0x3FB2] =	sst s10  }
0x35: {  	s10 =	sld [smem:$0x3FB1];
	_ =	sdelay $0x3  }
0x36: {  	p1 =	seq.s32 s10, $0x1;
	s10 =	sld [smem:$0x3FB2];
	_ =	sdelay $0x3  }
0x37: {  	[smem:$0x3FB2] =	sst s10  }
0x38: {  	s10 =	sld [smem:$0x3FB3]  }
0x39: {  	_ = 	snop;
	(pc) =	sbr.ind lr, $3  }
0x3a: {  	_ = 	snop  }
0x3b: {  	_ = 	snop  }
0x3c: {  	p2 =	seq.s32 s10, $0x1;
	s10 =	sld [smem:$0x3FB2]  }
0x3d: {  	_ =	shalt  }
0x3e: {  	_ =	shalt  }
0x3f: {  	_ =	shalt  }
0x40: {  	_ =	shalt  }
0x41: {  	_ =	shalt  }
0x42: {  	_ =	shalt  }
0x43: {  	_ =	shalt  }
0x44: {  	_ =	shalt  }
0x45: {  	_ =	shalt  }
0x46: {  	_ =	shalt  }
0x47: {  	_ =	shalt  }
0x48: {  	_ =	shalt  }
0x49: {  	_ =	shalt  }
0x4a: {  	_ =	shalt  }
0x4b: {  	_ =	shalt  }
0x4c: {  	_ =	shalt  }
0x4d: {  	_ =	shalt  }
0x4e: {  	_ =	shalt  }
0x4f: {  	_ =	shalt  }
0x50: {  	_ =	shalt  }
0x51: {  	_ =	shalt  }
0x52: {  	_ =	shalt  }
0x53: {  	_ =	shalt  }
0x54: {  	_ =	shalt  }
0x55: {  	_ =	shalt  }
0x56: {  	_ =	shalt  }
0x57: {  	_ =	shalt  }
0x58: {  	_ =	shalt  }
0x59: {  	_ =	shalt  }
0x5a: {  	_ =	shalt  }
0x5b: {  	_ =	shalt  }
0x5c: {  	_ =	shalt  }
0x5d: {  	_ =	shalt  }
0x5e: {  	_ =	shalt  }
0x5f: {  	_ =	shalt  }
0x60: {  	_ =	shalt  }
0x61: {  	_ =	shalt  }
0x62: {  	_ =	shalt  }
0x63: {  	_ =	shalt  }
0x64: {  	_ =	shalt  }
0x65: {  	_ =	shalt  }
0x66: {  	_ =	shalt  }
0x67: {  	_ =	shalt  }
0x68: {  	_ =	shalt  }
0x69: {  	_ =	shalt  }
0x6a: {  	_ =	shalt  }
0x6b: {  	_ =	shalt  }
0x6c: {  	_ =	shalt  }
0x6d: {  	_ =	shalt  }
0x6e: {  	_ =	shalt  }
0x6f: {  	_ =	shalt  }
0x70: {  	_ =	shalt  }
0x71: {  	_ =	shalt  }
0x72: {  	_ =	shalt  }
0x73: {  	_ =	shalt  }
0x74: {  	_ =	shalt  }
0x75: {  	_ =	shalt  }
0x76: {  	_ =	shalt  }
0x77: {  	_ =	shalt  }
0x78: {  	_ =	shalt  }
0x79: {  	_ =	shalt  }
0x7a: {  	_ =	shalt  }
0x7b: {  	_ =	shalt  }
0x7c: {  	_ =	shalt  }
0x7d: {  	_ =	shalt  }
0x7e: {  	_ =	shalt  }
0x7f: {  	_ =	shalt  }
0x80: {  	_ =	shalt  }
0x81: {  	_ =	shalt  }
0x82: {  	_ =	shalt  }
0x83: {  	_ =	shalt  }
0x84: {  	_ =	shalt  }
0x85: {  	_ =	shalt  }
0x86: {  	_ =	shalt  }
0x87: {  	_ =	shalt  }
.Lfunc_end0:
.L_simem_size_0:
called_computation.3_lowered:
.L_overlay_start_0:
0x88: {  	s2 =	sld [smem:$0x3FD9]  }
0x89: {  	s3 =	sld [smem:$0x3FFE];
	_ =	sdelay $0x1  }
0x8a: {  	s1 =	srdreg.scid  }
0x8b: {  	s0 =	sand.u32 $0x1, s1  }
0x8c: {  	s17 =	sshll.u32 s0, $0xA;
	s2 =	sadd.s32 s3, s2  }
0x8d: {  	s2 =	sadd.s32 s2, s17  }
0x8e: {  	[smem:$0x3FBE] =	sst s2  }
0x8f: {  	_ = 	snop  }
0x90: {  	s2 =	sld [smem:$0x3FD0];
	(tm) =	ssettm $0x1  }
0x91: {  	s18 =	sld [smem:$0x3FFB];
	_ =	sdelay $0x3  }
0x92: {  	_ =	strace s18  }
0x93: {  	s3 =	sld [smem:$0x3FFC];
	_ =	sdelay $0x3  }
0x94: {  	_ =	strace s3  }
0x95: {  	s3 =	sld [smem:$0x3FFD];
	_ =	sdelay $0x3  }
0x96: {  	_ =	strace s3  }
0x97: {  	_ =	strace $0x8FFFFFFF  }
0x98: {  	s19 =	sld [smem:$0x3FDB];
	_ =	sdelay $0x1  }
0x99: {  	s4 =	simm.s32 $_scs_section_size  }
0x9a: {  	s5 =	simm.s32 $_size__tile_overlayer_lowered;
	s6 =	simm.s32 $_tile_overlayer_lowered  }
0x9b: {  	s22 =	simm.s32 $0x1BFF;
	s21 =	sshll.u32 s6, $0x1;
	s3 =	sadd.s32 s4, s19  }
0x9c: {  	s7 =	simm.s32 $0x0;
	s20 =	sshll.u32 s5, $0x1;
	s5 =	sadd.s32 s21, s3  }
0x9d: {  	[timem:s7], [sflag:s22] =	dma.local [hbm:s5], s20  }
0x9e: {  	_ =	swait.ge [sflag:s22], s20  }
0x9f: {  	s4 =	ssub.s32 $0x0, s20;
	[sflag:s22] =	ssyncset.done $0x0  }
0xa0: {  	[sflag:s22] =	ssyncadd.s32 s4;
	_ =	sdelay $0x1  }
0xa1: {  	s23 =	simm.s32 $0x1B8B  }
0xa2: {  	_ =	swait.ge [sflag:s23], $0x1  }
0xa3: {  	[sflag:s23] =	ssyncset.done $0x0  }
0xa4: {  	s25 =	simm.s32 $0x1B8E;
	s24 =	sld [smem:$0x3FFE];
	[sflag:s23] =	ssyncadd.s32 $0xFFFFFFFF  }
0xa5: {  	s26 =	simm.s32 $execute0_lowered;
	[smem:$0x3FD2] =	sst s25  }
0xa6: {  	s5 =	sshll.u32 s26, $0x1;
	_ =	strace $0x8000004F;
	[dreg:$0x1] =	wrdreg $0xFFFFFFFF  }
0xa7: {  	s28 =	simm.s32 $_size_execute0_lowered;
	s3 =	sadd.s32 s3, s5;
	[dreg:$0x0] =	wrdreg $0x0  }
0xa8: {  	s5 =	sshll.u32 s28, $0x1;
	[dreg:$0x2] =	wrdreg s3  }
0xa9: {  	[dreg:$0x3] =	wrdreg s5  }
0xaa: {  	[dreg:$0x4] =	wrdreg $0xC0  }
0xab: {  	_ =	task [dreg:s7], $0x5FFFF  }
0xac: {  	[dreg:$0x1] =	wrdreg $0xFFFFFFFF  }
0xad: {  	[dreg:$0x0] =	wrdreg $0x60  }
0xae: {  	[dreg:$0x2] =	wrdreg s24  }
0xaf: {  	[dreg:$0x3] =	wrdreg s2  }
0xb0: {  	[dreg:$0x4] =	wrdreg $0x90000  }
0xb1: {  	[dreg:$0x5] =	wrdreg $0x9  }
0xb2: {  	_ =	task.clear_ibuf [dreg:s7], $0x6FFFF;
	_ =	strace $0x9000004F  }
0xb3: {  	s29 =	simm.s32 $0x9;
	_ =	strace $0x80000051  }
0xb4: {  	_ =	swait.ge [sflag:s29], $0x1  }
0xb5: {  	[sflag:s29] =	ssyncadd.s32 $0xFFFFFFFF  }
0xb6: {  	_ =	strace $0x90000051  }
0xb7: {  	_ =	sfence  }
0xb8: {  	s30 =	sld [smem:$0x0];
	_ =	sdelay $0x2  }
0xb9: {  	s31 =	sshll.u32 s1, $0xD;
	s1 =	sshrl.u32 s1, $0x2  }
0xba: {  	s3 =	sand.u32 $0x4000, s31;
	s1 =	sadd.s32 s1, s30  }
0xbb: {  	s0 =	sor.u32 s3, s0;
	s1 =	sshll.u32 s1, $0x11  }
0xbc: {  	s0 =	sor.u32 s1, s0  }
0xbd: {  	s0 =	sadd.s32 $0x8F2B, s0  }
0xbe: {  	[sflag:s0] =	ssyncadd.remote.s32 $0x1  }
0xbf: {  	_ =	sfence.sel $0xFFFF  }
0xc0: {  	[dreg:$0x0] =	wrdreg $0xFFFFFFFF;
	(pc) =	sbr.abs _section_cstart, $3  }
0xc1: {  	[dreg:$0x1] =	wrdreg $0xFFFFFFFF  }
0xc2: {  	_ =	task.clear_ibuf [dreg:s7], $0x2FFFF;
	_ =	strace $0x9FFFFFFF  }
0xc3: {  	(tm) =	ssettm $0x7FFFFFFF  }
tec
execute0_lowered:
.L_overlay_start_1:
0x0: {  	(tag) =	ssettag $0x1  }
0x1: {  	s6 =	rddreg [dreg:$0x0]  }
0x2: {  	s2 =	rddreg [dreg:$0x1]  }
0x3: {  	s0 =	srdreg.scid;
	s3 =	rddreg [dreg:$0x2]  }
0x4: {  	s1 =	rddreg [dreg:$0x3];
	s5 =	sand.u32 $0x1, s0  }
0x5: {  	s4 =	simm.s32 $0x0;
	s0 =	stileid.u32;
	s7 =	smul.u32 $0x28000, s5  }
0x6: {  	s11 =	simm.s32 $0x2800;
	s14 =	simm.s32 $0x80;
	s8 =	smul.u32 $0x2800, s0  }
0x7: {  	s15 =	simm.s32 $0x5000;
	[smem:$0x7FF] =	sst s4;
	s9 =	smul.u32 $0x13C000, s5  }
0x8: {  	s16 =	simm.s32 $0x0;
	s29 =	smul.u32 $0x13C00, s0;
	_ =	strace $0x80000050  }
0x9: {  	s30 =	ssub.s32 $0x2, s5;
	s10 =	smul.u32 $0x4F000, s0;
	s12 =	sshll.u32 s0, $0x6  }
0xa: {  	s5 =	sadd.s32 $0x67600, s6;
	s31 =	sshrl.u32 s30, $0x1;
	s12 =	sor.u32 $0x1C01, s12  }
0xb: {  	s7 =	sadd.s32 s8, s7;
	s8 =	sadd.s32 s29, s9;
	s9 =	ssub.s32 s30, s31  }
0xc: {  	s10 =	sshrl.u32 s10, $0x2;
	s7 =	sshrl.u32 s7, $0x3;
	s8 =	sshrl.u32 s8, $0x3  }
0xd: {  	s13 =	sadd.s32 s10, s3;
	s9 =	smax.u32 s9, $0x1;
	s10 =	simm.s32 $0x1  }
0xe: {  	s7 =	sadd.s32 s7, s6;
	s8 =	sadd.s32 s8, s6;
	s13 =	sshrl.u32 s13, $0x3  }
0xf: {  	s6 =	sadd.s32 $0x5D600, s7;
	s7 =	sadd.s32 $0x3E00, s7;
	s8 =	sadd.s32 $0x8E800, s8  }
.LBB2_1:
0x10: {  	[tilespmem:s4], [sflag:$0x1] =	stream.linear.gather [hbm4b:s6+s4], $0x2780, $0x38;
	[tilespmem:$0x1CC00] =	vst v63  }
0x11: {  	_ =	swait.ge [sflag:s10], $0x2780  }
0x12: {  	[sflag:s10] =	ssyncset.done $0x0  }
0x13: {  	[sflag:s10] =	ssyncadd.s32 $0xFFFFD880  }
0x14: {  	[tilespmem:s11], [sflag:$0x1] =	stream.linear.gather [hbm4b:s7+s4], $0x2780, $0x38;
	[tilespmem:$0x1CC00] =	vst v63  }
0x15: {  	_ =	swait.ge [sflag:s10], $0x2780  }
0x16: {  	[sflag:s10] =	ssyncset.done $0x0  }
0x17: {  	[sflag:s10] =	ssyncadd.s32 $0xFFFFD880  }
0x18: {  	[spmem:s13], [sflag:s12] =	dma.local [hbm:s2], $0x2780  }
0x19: {  	_ =	swait.ge [sflag:s10], $0x2780  }
0x1a: {  	[sflag:s10] =	ssyncset.done $0x0  }
0x1b: {  	[sflag:s10] =	ssyncadd.s32 $0xFFFFD880  }
0x1c: {  	s17 =	simm.s32 $0x0;
	[bflag:$0x0] =	sbarrier.arrive $0xFFFF  }
0x1d: {  	[tilespmem:s15], [sflag:$0x1] =	stream.indirect.gather [hbm4b:s5+s14], $0x80, s17, s14, $0xb8;
	[tilespmem:$0x1CC00] =	vst v63  }
0x1e: {  	_ =	swait.ge [sflag:s10], $0x4000  }
0x1f: {  	[sflag:s10] =	ssyncset.done $0x0  }
0x20: {  	s31 =	simm.s32 $0x2800;
	[sflag:s10] =	ssyncadd.s32 $0xFFFFC000  }
0x21: {  	[spmem:s3] =	stream.indirect.scatter.add.f32 [tilespmem:s15], [sflag:$0x1], $0x80, s31, s14, $0xb8;
	[tilespmem:$0x1CC00] =	vst v63  }
0x22: {  	_ =	swait.ge [sflag:s10], $0x4000  }
0x23: {  	s18 =	simm.s32 $0x400;
	s17 =	simm.s32 $0x200;
	[sflag:s10] =	ssyncset.done $0x0  }
.LBB2_2:
0x24: {  	s19 =	sshra.s32 s17, $0x2  }
0x25: {  	[sflag:s10] =	ssyncadd.s32 $0xFFFFC000;
	s17 =	smov.u32 s18;
	s20 =	sadd.s32 $0x200, s18  }
0x26: {  	[tilespmem:s15], [sflag:$0x1] =	stream.indirect.gather [hbm4b:s5+s14], $0x80, s19, s14, $0xb8;
	[tilespmem:$0x1CC00] =	vst v63  }
0x27: {  	p0 =	sne.s32 s18, $0x9C00;
	_ =	swait.ge [sflag:s10], $0x4000  }
.Ltmp0:
0x28: {  	[sflag:s10] =	ssyncset.done $0x0;
	(pc) =	sbr.rel @p0 .LBB2_2-.Ltmp0, $4  }
0x29: {  	s18 =	sadd.s32 $0x2800, s19;
	[sflag:s10] =	ssyncadd.s32 $0xFFFFC000  }
0x2a: {  	[spmem:s3] =	stream.indirect.scatter.add.f32 [tilespmem:s15], [sflag:$0x1], $0x80, s18, s14, $0xb8;
	[tilespmem:$0x1CC00] =	vst v63  }
0x2b: {  	_ =	swait.ge [sflag:s10], $0x4000  }
0x2c: {  	s18 =	smov.u32 s20;
	[sflag:s10] =	ssyncset.done $0x0  }
0x2d: {  	s17 =	sshra.s32 s17, $0x2;
	[sflag:s10] =	ssyncadd.s32 $0xFFFFC000  }
0x2e: {  	[tilespmem:s15], [sflag:$0x1] =	stream.indirect.gather [hbm4b:s5+s14], $0x80, s17, s14, $0xb8;
	[tilespmem:$0x1CC00] =	vst v63  }
0x2f: {  	_ =	swait.ge [sflag:s10], $0x4000  }
0x30: {  	[sflag:s10] =	ssyncset.done $0x0  }
0x31: {  	s17 =	sadd.s32 $0x2800, s17;
	[sflag:s10] =	ssyncadd.s32 $0xFFFFC000  }
0x32: {  	[spmem:s3] =	stream.indirect.scatter.add.f32 [tilespmem:s15], [sflag:$0x1], $0x80, s17, s14, $0xb8;
	[tilespmem:$0x1CC00] =	vst v63  }
0x33: {  	_ =	swait.ge [sflag:s10], $0x4000  }
0x34: {  	s16 =	sadd.s32 $0x1, s16;
	[sflag:s10] =	ssyncset.done $0x0  }
0x35: {  	p0 =	sne.s32 s16, s9;
	[sflag:s10] =	ssyncadd.s32 $0xFFFFC000  }
.Ltmp1:
0x36: {  	[bflag:$0x0] =	sbarrier.arrive $0xFFFF;
	(pc) =	sbr.rel @p0 .LBB2_1-.Ltmp1, $4  }
0x37: {  	[hbm:s8], [sflag:s12] =	dma.local [spmem:s13], $0x2780  }
0x38: {  	_ =	swait.ge [sflag:s10], $0x2780  }
0x39: {  	[sflag:s10] =	ssyncset.done $0x0  }
0x3a: {  	[sflag:s10] =	ssyncadd.s32 $0xFFFFD880  }
0x3b: {  	_ =	sfence.sel $0x180000  }
0x3c: {  	[bflag:$0x0] =	sbarrier.arrive $0xFFFF  }
0x3d: {  	p0 =	sne.s32 s0, $0x0;
	_ =	strace $0x90000050  }
0x3e: {  	s0 =	sadd.s32 @!p0 $0x100000, s1;
	[bflag:$0x2] =	sbarrier.arrive $0xFFFF  }
0x3f: {  	[sflag:s0] =	ssyncadd.tile.s32 @!p0 $0x1;
	_ =	shalt  }
.Lfunc_end2:
_tile_overlayer_lowered:
.L_overlay_start_2:
0x40: {  	(tag) =	ssettag $0x2  }
0x41: {  	s0 =	rddreg [dreg:$0x0];
	s2 =	stileid.u32  }
0x42: {  	s1 =	rddreg [dreg:$0x1];
	p0 =	sne.s32 s2, $0x0  }
0x43: {  	s3 =	rddreg [dreg:$0x2];
	[bflag:$0x3] =	sbarrier.arrive $0xFFFF;
	s2 =	simm.s32 @!p0 $0x1C01  }
0x44: {  	[timem:s3], [sflag:s2] =	dma.local @!p0 [hbm:s0], s1  }
0x45: {  	s0 =	simm.s32 @!p0 $0x1  }
0x46: {  	_ =	swait.ge @!p0 [sflag:s0], s1  }
0x47: {  	s1 =	ssub.s32 @!p0 $0x0, s1;
	[sflag:s0] =	ssyncset.done @!p0 $0x0  }
0x48: {  	[sflag:s0] =	ssyncadd.s32 @!p0 s1  }
0x49: {  	[bflag:$0x3] =	sbarrier.arrive $0xFFFF  }
0x4a: {  	_ =	shalt  }

</sc_bundles>
